<compile_context>
chip_gen: v7x
topology: tpu7x:2x2x1
jax: 0.10.2.dev20260603
libtpu: 0.0.44.dev20260713+nightly
codegen_flags: <defaults>
</compile_context>

<pallas_src>
import functools

import jax
import jax.numpy as jnp
from jax import lax
from jax.experimental import pallas as pl
from jax.experimental.pallas import tpu as pltpu
from jax.experimental.pallas import tpu_sc as plsc

SEQ_LEN = 8192
NUM_CORES = 2
NUM_SUBCORES = 16
LANES = 16
NUM_WORKERS = NUM_CORES * NUM_SUBCORES
ROWS_PER_WORKER = SEQ_LEN // NUM_WORKERS
CHUNKS = ROWS_PER_WORKER // LANES


def _gate_body(gs_hbm, out0_hbm, out1_hbm, gs_v, o0_v, o1_v):
    wid = lax.axis_index("s") * NUM_CORES + lax.axis_index("c")
    base = wid * ROWS_PER_WORKER

    pltpu.sync_copy(gs_hbm.at[pl.ds(base * 2, ROWS_PER_WORKER * 2)], gs_v)

    for c in range(CHUNKS):
        even = c * 2 * LANES + 2 * lax.iota(jnp.int32, LANES)
        g0 = plsc.load_gather(gs_v, [even])
        g1 = plsc.load_gather(gs_v, [even + 1])
        m = jnp.maximum(g0, g1)
        e0 = jnp.exp(g0 - m)
        e1 = jnp.exp(g1 - m)
        denom = e0 + e1
        s0 = e0 / denom
        s1 = e1 / denom
        sel = g0 >= g1
        h0 = jnp.where(sel, 1.0, 0.0)
        h1 = jnp.where(sel, 0.0, 1.0)
        o0_v[pl.ds(c * LANES, LANES)] = h0 - s0 + s0
        o1_v[pl.ds(c * LANES, LANES)] = h1 - s1 + s1

    pltpu.sync_copy(o0_v, out0_hbm.at[pl.ds(base, ROWS_PER_WORKER)])
    pltpu.sync_copy(o1_v, out1_hbm.at[pl.ds(base, ROWS_PER_WORKER)])


@functools.cache
def _gate_kernel():
    return pl.kernel(
        _gate_body,
        out_type=(
            jax.ShapeDtypeStruct((SEQ_LEN,), jnp.float32),
            jax.ShapeDtypeStruct((SEQ_LEN,), jnp.float32),
        ),
        mesh=plsc.VectorSubcoreMesh(
            core_axis_name="c", subcore_axis_name="s",
            num_cores=NUM_CORES, num_subcores=NUM_SUBCORES,
        ),
        scratch_types=[
            pltpu.VMEM((2 * ROWS_PER_WORKER,), jnp.float32),
            pltpu.VMEM((ROWS_PER_WORKER,), jnp.float32),
            pltpu.VMEM((ROWS_PER_WORKER,), jnp.float32),
        ],
        compiler_params=pltpu.CompilerParams(needs_layout_passes=False),
    )


def kernel(x, W, global_gate_score, smoothing_factor):
    del x, W, smoothing_factor
    gs_flat = global_gate_score.reshape(-1)
    return _gate_kernel()(gs_flat)

# --- scband reference (transcript-rebuilt; emitter-appended) ---
"""Pipeline reference for scband-mutually-exclusive-gated-attention-global-mask-89412629168772 (READ-ONLY COPY).

The authoritative reference and input builder live on the scoring server;
editing this copy changes nothing except your own understanding.
"""

import jax, jax.numpy as jnp
import numpy as np

D_MODEL = 1024
SEQ_LEN = 8192
BATCH = 4
SIGMA = 0.5


def setup_inputs(seed: int = 0) -> dict:
    key = jax.random.key(seed)
    k1, k2, k3 = jax.random.split(key, 3)
    x = jax.random.normal(k1, (BATCH, SEQ_LEN, D_MODEL), dtype=jnp.float32)
    # nn.Linear(d_model, 2, bias=False) weight, shape [2, d_model]
    W = jax.random.normal(k2, (2, D_MODEL), dtype=jnp.float32) * (1.0 / np.sqrt(D_MODEL))
    # nn.Parameter(torch.randn(seq_len, 2))
    global_gate_score = jax.random.normal(k3, (SEQ_LEN, 2), dtype=jnp.float32)
    smoothing_factor = jnp.float32(0.9)
    return {"x": x, "W": W, "global_gate_score": global_gate_score, "smoothing_factor": smoothing_factor}


def reference(x, W, global_gate_score, smoothing_factor):
    # Eval-mode forward (module.eval()): no EMA update, no gumbel noise.
    # logits are computed in the torch forward but do not feed the eval output.
    logits = jnp.einsum('bsd,ed->bse', x, W)
    _ = logits
    # GumbelSoftmax.forward with training=False: softmax then straight-through hard one-hot
    y_soft = jax.nn.softmax(global_gate_score, axis=-1)
    index = jnp.argmax(y_soft, axis=-1)
    y_hard = jax.nn.one_hot(index, global_gate_score.shape[-1], dtype=global_gate_score.dtype)
    ret = y_hard - jax.lax.stop_gradient(y_soft) + y_soft
    # gate_scores.unbind(-1)
    return (ret[..., 0], ret[..., 1])

if __name__ == "__main__":
    import jax
    _d = setup_inputs()
    print(jax.jit(kernel)(*tuple(_d.values())))

</pallas_src>

<mosaic_0001>
#map = affine_map<(d0, d1) -> (0)>
module attributes {stable_mosaic.version = 14 : i64} {
  func.func @_gate_body(%arg0: i32, %arg1: i32, %arg2: memref<16384xf32, #tpu.memory_space<hbm>>, %arg3: memref<8192xf32, #tpu.memory_space<hbm>>, %arg4: memref<8192xf32, #tpu.memory_space<hbm>>, %arg5: memref<512xf32, #tpu.memory_space<vmem>>, %arg6: memref<256xf32, #tpu.memory_space<vmem>>, %arg7: memref<256xf32, #tpu.memory_space<vmem>>) attributes {dimension_semantics = [#tpu.dimension_semantics<core_parallel>, #tpu.dimension_semantics<subcore_parallel>], iteration_bounds = array<i64: 2, 16>, scalar_prefetch = 0 : i64, scratch_operands = 3 : i64, tpu.core_type = #tpu.core_type<sc_vector_subcore>, window_params = [{transform_indices = #map}, {transform_indices = #map}, {transform_indices = #map}]} {
    %mul3A = arith.constant 2 : i32
    %mul3A_0 = arith.muli %arg1, %mul3A : i32
    %add3A = arith.addi %mul3A_0, %arg0 : i32
    %mul3A_1 = arith.constant 256 : i32
    %mul3A_2 = arith.muli %add3A, %mul3A_1 : i32
    %mul3A_3 = arith.constant 2 : i32
    %mul3A_4 = arith.muli %mul3A_2, %mul3A_3 : i32
    "tpu.region"() ({
      %run_scoped3A = tpu.sem_alloc : memref<!tpu.dma_semaphore, #tpu.memory_space<semaphore_mem>>
      %dma_start3A = tpu.memref_slice %arg2[%mul3A_4] : memref<16384xf32, #tpu.memory_space<hbm>> -> memref<512xf32, #tpu.memory_space<hbm>>
      %dma_start3A_618 = tpu.memref_slice %arg2[%mul3A_4] : memref<16384xf32, #tpu.memory_space<hbm>> -> memref<512xf32, #tpu.memory_space<hbm>>
      tpu.enqueue_dma source(%dma_start3A_618 : memref<512xf32, #tpu.memory_space<hbm>>) target(%arg5 : memref<512xf32, #tpu.memory_space<vmem>>) target_semaphore(%run_scoped3A : memref<!tpu.dma_semaphore, #tpu.memory_space<semaphore_mem>>)
      %dma_wait3A = tpu.memref_slice %arg2[%mul3A_4] : memref<16384xf32, #tpu.memory_space<hbm>> -> memref<512xf32, #tpu.memory_space<hbm>>
      %dma_wait3A_619 = tpu.memref_slice %arg2[%mul3A_4] : memref<16384xf32, #tpu.memory_space<hbm>> -> memref<512xf32, #tpu.memory_space<hbm>>
      tpu.wait_dma2 semaphore(%run_scoped3A : memref<!tpu.dma_semaphore, #tpu.memory_space<semaphore_mem>>) src(%dma_wait3A_619 : memref<512xf32, #tpu.memory_space<hbm>>) dst(%arg5 : memref<512xf32, #tpu.memory_space<vmem>>)
      tpu.yield
    }) : () -> ()
    %iota3A = tpu.iota {dimensions = array<i32: 0>} : vector<16xi32>
    %mul3A_5 = arith.constant 2 : i32
    %mul3A_6 = vector.broadcast %mul3A_5 : i32 to vector<16xi32>
    %mul3A_7 = arith.muli %mul3A_6, %iota3A : vector<16xi32>
    %add3A_8 = arith.constant 0 : i32
    %add3A_9 = vector.broadcast %add3A_8 : i32 to vector<16xi32>
    %add3A_10 = arith.addi %add3A_9, %mul3A_7 : vector<16xi32>
    %gather3A = tpu.vector_load_idx %arg5[%add3A_10] : memref<512xf32, #tpu.memory_space<vmem>>[vector<16xi32>], vector<16xf32>,
    %add3A_11 = arith.constant 1 : i32
    %add3A_12 = vector.broadcast %add3A_11 : i32 to vector<16xi32>
    %add3A_13 = arith.addi %add3A_10, %add3A_12 : vector<16xi32>
    %gather3A_14 = tpu.vector_load_idx %arg5[%add3A_13] : memref<512xf32, #tpu.memory_space<vmem>>[vector<16xi32>], vector<16xf32>,
    %max3A = arith.maximumf %gather3A, %gather3A_14 : vector<16xf32>
    %sub3A = arith.subf %gather3A, %max3A : vector<16xf32>
    %exp3A = math.exp %sub3A : vector<16xf32>
    %sub3A_15 = arith.subf %gather3A_14, %max3A : vector<16xf32>
    %exp3A_16 = math.exp %sub3A_15 : vector<16xf32>
    %add3A_17 = arith.addf %exp3A, %exp3A_16 : vector<16xf32>
    %div3A = arith.divf %exp3A, %add3A_17 : vector<16xf32>
    %div3A_18 = arith.divf %exp3A_16, %add3A_17 : vector<16xf32>
    %ge3A = arith.cmpf oge, %gather3A, %gather3A_14 : vector<16xf32>
    %jit3A = arith.constant 1.000000e+00 : f32
    %jit3A_19 = arith.constant 0.000000e+00 : f32
    %broadcast_in_dim3A = vector.broadcast %jit3A : f32 to vector<16xf32>
    %broadcast_in_dim3A_20 = vector.broadcast %jit3A_19 : f32 to vector<16xf32>
    %select_n3A = arith.select %ge3A, %broadcast_in_dim3A, %broadcast_in_dim3A_20 : vector<16xi1>, vector<16xf32>
    %jit3A_21 = arith.constant 0.000000e+00 : f32
    %jit3A_22 = arith.constant 1.000000e+00 : f32
    %broadcast_in_dim3A_23 = vector.broadcast %jit3A_21 : f32 to vector<16xf32>
    %broadcast_in_dim3A_24 = vector.broadcast %jit3A_22 : f32 to vector<16xf32>
    %select_n3A_25 = arith.select %ge3A, %broadcast_in_dim3A_23, %broadcast_in_dim3A_24 : vector<16xi1>, vector<16xf32>
    %sub3A_26 = arith.subf %select_n3A, %div3A : vector<16xf32>
    %add3A_27 = arith.addf %sub3A_26, %div3A : vector<16xf32>
    %swap3A = arith.constant 0 : index
    %swap3A_28 = tpu.vector_load %arg6[%swap3A] {strides = array<i32>} : memref<256xf32, #tpu.memory_space<vmem>>, vector<16xf32>,
    tpu.vector_store %arg6[%swap3A], %add3A_27 {strides = array<i32>} : memref<256xf32, #tpu.memory_space<vmem>>, vector<16xf32>,
    %sub3A_29 = arith.subf %select_n3A_25, %div3A_18 : vector<16xf32>
    %add3A_30 = arith.addf %sub3A_29, %div3A_18 : vector<16xf32>
    %swap3A_31 = arith.constant 0 : index
    %swap3A_32 = tpu.vector_load %arg7[%swap3A_31] {strides = array<i32>} : memref<256xf32, #tpu.memory_space<vmem>>, vector<16xf32>,
    tpu.vector_store %arg7[%swap3A_31], %add3A_30 {strides = array<i32>} : memref<256xf32, #tpu.memory_space<vmem>>, vector<16xf32>,
    %iota3A_33 = tpu.iota {dimensions = array<i32: 0>} : vector<16xi32>
    %mul3A_34 = arith.constant 2 : i32
    %mul3A_35 = vector.broadcast %mul3A_34 : i32 to vector<16xi32>
    %mul3A_36 = arith.muli %mul3A_35, %iota3A_33 : vector<16xi32>
    %add3A_37 = arith.constant 32 : i32
    %add3A_38 = vector.broadcast %add3A_37 : i32 to vector<16xi32>
    %add3A_39 = arith.addi %add3A_38, %mul3A_36 : vector<16xi32>
    %gather3A_40 = tpu.vector_load_idx %arg5[%add3A_39] : memref<512xf32, #tpu.memory_space<vmem>>[vector<16xi32>], vector<16xf32>,
    %add3A_41 = arith.constant 1 : i32
    %add3A_42 = vector.broadcast %add3A_41 : i32 to vector<16xi32>
    %add3A_43 = arith.addi %add3A_39, %add3A_42 : vector<16xi32>
    %gather3A_44 = tpu.vector_load_idx %arg5[%add3A_43] : memref<512xf32, #tpu.memory_space<vmem>>[vector<16xi32>], vector<16xf32>,
    %max3A_45 = arith.maximumf %gather3A_40, %gather3A_44 : vector<16xf32>
    %sub3A_46 = arith.subf %gather3A_40, %max3A_45 : vector<16xf32>
    %exp3A_47 = math.exp %sub3A_46 : vector<16xf32>
    %sub3A_48 = arith.subf %gather3A_44, %max3A_45 : vector<16xf32>
    %exp3A_49 = math.exp %sub3A_48 : vector<16xf32>
    %add3A_50 = arith.addf %exp3A_47, %exp3A_49 : vector<16xf32>
    %div3A_51 = arith.divf %exp3A_47, %add3A_50 : vector<16xf32>
    %div3A_52 = arith.divf %exp3A_49, %add3A_50 : vector<16xf32>
    %ge3A_53 = arith.cmpf oge, %gather3A_40, %gather3A_44 : vector<16xf32>
    %jit3A_54 = arith.constant 1.000000e+00 : f32
    %jit3A_55 = arith.constant 0.000000e+00 : f32
    %broadcast_in_dim3A_56 = vector.broadcast %jit3A_54 : f32 to vector<16xf32>
    %broadcast_in_dim3A_57 = vector.broadcast %jit3A_55 : f32 to vector<16xf32>
    %select_n3A_58 = arith.select %ge3A_53, %broadcast_in_dim3A_56, %broadcast_in_dim3A_57 : vector<16xi1>, vector<16xf32>
    %jit3A_59 = arith.constant 0.000000e+00 : f32
    %jit3A_60 = arith.constant 1.000000e+00 : f32
    %broadcast_in_dim3A_61 = vector.broadcast %jit3A_59 : f32 to vector<16xf32>
    %broadcast_in_dim3A_62 = vector.broadcast %jit3A_60 : f32 to vector<16xf32>
    %select_n3A_63 = arith.select %ge3A_53, %broadcast_in_dim3A_61, %broadcast_in_dim3A_62 : vector<16xi1>, vector<16xf32>
    %sub3A_64 = arith.subf %select_n3A_58, %div3A_51 : vector<16xf32>
    %add3A_65 = arith.addf %sub3A_64, %div3A_51 : vector<16xf32>
    %swap3A_66 = arith.constant 16 : index
    %swap3A_67 = tpu.vector_load %arg6[%swap3A_66] {strides = array<i32>} : memref<256xf32, #tpu.memory_space<vmem>>, vector<16xf32>,
    tpu.vector_store %arg6[%swap3A_66], %add3A_65 {strides = array<i32>} : memref<256xf32, #tpu.memory_space<vmem>>, vector<16xf32>,
    %sub3A_68 = arith.subf %select_n3A_63, %div3A_52 : vector<16xf32>
    %add3A_69 = arith.addf %sub3A_68, %div3A_52 : vector<16xf32>
    %swap3A_70 = arith.constant 16 : index
    %swap3A_71 = tpu.vector_load %arg7[%swap3A_70] {strides = array<i32>} : memref<256xf32, #tpu.memory_space<vmem>>, vector<16xf32>,
    tpu.vector_store %arg7[%swap3A_70], %add3A_69 {strides = array<i32>} : memref<256xf32, #tpu.memory_space<vmem>>, vector<16xf32>,
    %iota3A_72 = tpu.iota {dimensions = array<i32: 0>} : vector<16xi32>
    %mul3A_73 = arith.constant 2 : i32
    %mul3A_74 = vector.broadcast %mul3A_73 : i32 to vector<16xi32>
    %mul3A_75 = arith.muli %mul3A_74, %iota3A_72 : vector<16xi32>
    %add3A_76 = arith.constant 64 : i32
    %add3A_77 = vector.broadcast %add3A_76 : i32 to vector<16xi32>
    %add3A_78 = arith.addi %add3A_77, %mul3A_75 : vector<16xi32>
    %gather3A_79 = tpu.vector_load_idx %arg5[%add3A_78] : memref<512xf32, #tpu.memory_space<vmem>>[vector<16xi32>], vector<16xf32>,
    %add3A_80 = arith.constant 1 : i32
    %add3A_81 = vector.broadcast %add3A_80 : i32 to vector<16xi32>
    %add3A_82 = arith.addi %add3A_78, %add3A_81 : vector<16xi32>
    %gather3A_83 = tpu.vector_load_idx %arg5[%add3A_82] : memref<512xf32, #tpu.memory_space<vmem>>[vector<16xi32>], vector<16xf32>,
    %max3A_84 = arith.maximumf %gather3A_79, %gather3A_83 : vector<16xf32>
    %sub3A_85 = arith.subf %gather3A_79, %max3A_84 : vector<16xf32>
    %exp3A_86 = math.exp %sub3A_85 : vector<16xf32>
    %sub3A_87 = arith.subf %gather3A_83, %max3A_84 : vector<16xf32>
    %exp3A_88 = math.exp %sub3A_87 : vector<16xf32>
    %add3A_89 = arith.addf %exp3A_86, %exp3A_88 : vector<16xf32>
    %div3A_90 = arith.divf %exp3A_86, %add3A_89 : vector<16xf32>
    %div3A_91 = arith.divf %exp3A_88, %add3A_89 : vector<16xf32>
    %ge3A_92 = arith.cmpf oge, %gather3A_79, %gather3A_83 : vector<16xf32>
    %jit3A_93 = arith.constant 1.000000e+00 : f32
    %jit3A_94 = arith.constant 0.000000e+00 : f32
    %broadcast_in_dim3A_95 = vector.broadcast %jit3A_93 : f32 to vector<16xf32>
    %broadcast_in_dim3A_96 = vector.broadcast %jit3A_94 : f32 to vector<16xf32>
    %select_n3A_97 = arith.select %ge3A_92, %broadcast_in_dim3A_95, %broadcast_in_dim3A_96 : vector<16xi1>, vector<16xf32>
    %jit3A_98 = arith.constant 0.000000e+00 : f32
    %jit3A_99 = arith.constant 1.000000e+00 : f32
    %broadcast_in_dim3A_100 = vector.broadcast %jit3A_98 : f32 to vector<16xf32>
    %broadcast_in_dim3A_101 = vector.broadcast %jit3A_99 : f32 to vector<16xf32>
    %select_n3A_102 = arith.select %ge3A_92, %broadcast_in_dim3A_100, %broadcast_in_dim3A_101 : vector<16xi1>, vector<16xf32>
    %sub3A_103 = arith.subf %select_n3A_97, %div3A_90 : vector<16xf32>
    %add3A_104 = arith.addf %sub3A_103, %div3A_90 : vector<16xf32>
    %swap3A_105 = arith.constant 32 : index
    %swap3A_106 = tpu.vector_load %arg6[%swap3A_105] {strides = array<i32>} : memref<256xf32, #tpu.memory_space<vmem>>, vector<16xf32>,
    tpu.vector_store %arg6[%swap3A_105], %add3A_104 {strides = array<i32>} : memref<256xf32, #tpu.memory_space<vmem>>, vector<16xf32>,
    %sub3A_107 = arith.subf %select_n3A_102, %div3A_91 : vector<16xf32>
    %add3A_108 = arith.addf %sub3A_107, %div3A_91 : vector<16xf32>
    %swap3A_109 = arith.constant 32 : index
    %swap3A_110 = tpu.vector_load %arg7[%swap3A_109] {strides = array<i32>} : memref<256xf32, #tpu.memory_space<vmem>>, vector<16xf32>,
    tpu.vector_store %arg7[%swap3A_109], %add3A_108 {strides = array<i32>} : memref<256xf32, #tpu.memory_space<vmem>>, vector<16xf32>,
    %iota3A_111 = tpu.iota {dimensions = array<i32: 0>} : vector<16xi32>
    %mul3A_112 = arith.constant 2 : i32
    %mul3A_113 = vector.broadcast %mul3A_112 : i32 to vector<16xi32>
    %mul3A_114 = arith.muli %mul3A_113, %iota3A_111 : vector<16xi32>
    %add3A_115 = arith.constant 96 : i32
    %add3A_116 = vector.broadcast %add3A_115 : i32 to vector<16xi32>
    %add3A_117 = arith.addi %add3A_116, %mul3A_114 : vector<16xi32>
    %gather3A_118 = tpu.vector_load_idx %arg5[%add3A_117] : memref<512xf32, #tpu.memory_space<vmem>>[vector<16xi32>], vector<16xf32>,
    %add3A_119 = arith.constant 1 : i32
    %add3A_120 = vector.broadcast %add3A_119 : i32 to vector<16xi32>
    %add3A_121 = arith.addi %add3A_117, %add3A_120 : vector<16xi32>
    %gather3A_122 = tpu.vector_load_idx %arg5[%add3A_121] : memref<512xf32, #tpu.memory_space<vmem>>[vector<16xi32>], vector<16xf32>,
    %max3A_123 = arith.maximumf %gather3A_118, %gather3A_122 : vector<16xf32>
    %sub3A_124 = arith.subf %gather3A_118, %max3A_123 : vector<16xf32>
    %exp3A_125 = math.exp %sub3A_124 : vector<16xf32>
    %sub3A_126 = arith.subf %gather3A_122, %max3A_123 : vector<16xf32>
    %exp3A_127 = math.exp %sub3A_126 : vector<16xf32>
    %add3A_128 = arith.addf %exp3A_125, %exp3A_127 : vector<16xf32>
    %div3A_129 = arith.divf %exp3A_125, %add3A_128 : vector<16xf32>
    %div3A_130 = arith.divf %exp3A_127, %add3A_128 : vector<16xf32>
    %ge3A_131 = arith.cmpf oge, %gather3A_118, %gather3A_122 : vector<16xf32>
    %jit3A_132 = arith.constant 1.000000e+00 : f32
    %jit3A_133 = arith.constant 0.000000e+00 : f32
    %broadcast_in_dim3A_134 = vector.broadcast %jit3A_132 : f32 to vector<16xf32>
    %broadcast_in_dim3A_135 = vector.broadcast %jit3A_133 : f32 to vector<16xf32>
    %select_n3A_136 = arith.select %ge3A_131, %broadcast_in_dim3A_134, %broadcast_in_dim3A_135 : vector<16xi1>, vector<16xf32>
    %jit3A_137 = arith.constant 0.000000e+00 : f32
    %jit3A_138 = arith.constant 1.000000e+00 : f32
    %broadcast_in_dim3A_139 = vector.broadcast %jit3A_137 : f32 to vector<16xf32>
    %broadcast_in_dim3A_140 = vector.broadcast %jit3A_138 : f32 to vector<16xf32>
    %select_n3A_141 = arith.select %ge3A_131, %broadcast_in_dim3A_139, %broadcast_in_dim3A_140 : vector<16xi1>, vector<16xf32>
    %sub3A_142 = arith.subf %select_n3A_136, %div3A_129 : vector<16xf32>
    %add3A_143 = arith.addf %sub3A_142, %div3A_129 : vector<16xf32>
    %swap3A_144 = arith.constant 48 : index
    %swap3A_145 = tpu.vector_load %arg6[%swap3A_144] {strides = array<i32>} : memref<256xf32, #tpu.memory_space<vmem>>, vector<16xf32>,
    tpu.vector_store %arg6[%swap3A_144], %add3A_143 {strides = array<i32>} : memref<256xf32, #tpu.memory_space<vmem>>, vector<16xf32>,
    %sub3A_146 = arith.subf %select_n3A_141, %div3A_130 : vector<16xf32>
    %add3A_147 = arith.addf %sub3A_146, %div3A_130 : vector<16xf32>
    %swap3A_148 = arith.constant 48 : index
    %swap3A_149 = tpu.vector_load %arg7[%swap3A_148] {strides = array<i32>} : memref<256xf32, #tpu.memory_space<vmem>>, vector<16xf32>,
    tpu.vector_store %arg7[%swap3A_148], %add3A_147 {strides = array<i32>} : memref<256xf32, #tpu.memory_space<vmem>>, vector<16xf32>,
    %iota3A_150 = tpu.iota {dimensions = array<i32: 0>} : vector<16xi32>
    %mul3A_151 = arith.constant 2 : i32
    %mul3A_152 = vector.broadcast %mul3A_151 : i32 to vector<16xi32>
    %mul3A_153 = arith.muli %mul3A_152, %iota3A_150 : vector<16xi32>
    %add3A_154 = arith.constant 128 : i32
    %add3A_155 = vector.broadcast %add3A_154 : i32 to vector<16xi32>
    %add3A_156 = arith.addi %add3A_155, %mul3A_153 : vector<16xi32>
    %gather3A_157 = tpu.vector_load_idx %arg5[%add3A_156] : memref<512xf32, #tpu.memory_space<vmem>>[vector<16xi32>], vector<16xf32>,
    %add3A_158 = arith.constant 1 : i32
    %add3A_159 = vector.broadcast %add3A_158 : i32 to vector<16xi32>
    %add3A_160 = arith.addi %add3A_156, %add3A_159 : vector<16xi32>
    %gather3A_161 = tpu.vector_load_idx %arg5[%add3A_160] : memref<512xf32, #tpu.memory_space<vmem>>[vector<16xi32>], vector<16xf32>,
    %max3A_162 = arith.maximumf %gather3A_157, %gather3A_161 : vector<16xf32>
    %sub3A_163 = arith.subf %gather3A_157, %max3A_162 : vector<16xf32>
    %exp3A_164 = math.exp %sub3A_163 : vector<16xf32>
    %sub3A_165 = arith.subf %gather3A_161, %max3A_162 : vector<16xf32>
    %exp3A_166 = math.exp %sub3A_165 : vector<16xf32>
    %add3A_167 = arith.addf %exp3A_164, %exp3A_166 : vector<16xf32>
    %div3A_168 = arith.divf %exp3A_164, %add3A_167 : vector<16xf32>
    %div3A_169 = arith.divf %exp3A_166, %add3A_167 : vector<16xf32>
    %ge3A_170 = arith.cmpf oge, %gather3A_157, %gather3A_161 : vector<16xf32>
    %jit3A_171 = arith.constant 1.000000e+00 : f32
    %jit3A_172 = arith.constant 0.000000e+00 : f32
    %broadcast_in_dim3A_173 = vector.broadcast %jit3A_171 : f32 to vector<16xf32>
    %broadcast_in_dim3A_174 = vector.broadcast %jit3A_172 : f32 to vector<16xf32>
    %select_n3A_175 = arith.select %ge3A_170, %broadcast_in_dim3A_173, %broadcast_in_dim3A_174 : vector<16xi1>, vector<16xf32>
    %jit3A_176 = arith.constant 0.000000e+00 : f32
    %jit3A_177 = arith.constant 1.000000e+00 : f32
    %broadcast_in_dim3A_178 = vector.broadcast %jit3A_176 : f32 to vector<16xf32>
    %broadcast_in_dim3A_179 = vector.broadcast %jit3A_177 : f32 to vector<16xf32>
    %select_n3A_180 = arith.select %ge3A_170, %broadcast_in_dim3A_178, %broadcast_in_dim3A_179 : vector<16xi1>, vector<16xf32>
    %sub3A_181 = arith.subf %select_n3A_175, %div3A_168 : vector<16xf32>
    %add3A_182 = arith.addf %sub3A_181, %div3A_168 : vector<16xf32>
    %swap3A_183 = arith.constant 64 : index
    %swap3A_184 = tpu.vector_load %arg6[%swap3A_183] {strides = array<i32>} : memref<256xf32, #tpu.memory_space<vmem>>, vector<16xf32>,
    tpu.vector_store %arg6[%swap3A_183], %add3A_182 {strides = array<i32>} : memref<256xf32, #tpu.memory_space<vmem>>, vector<16xf32>,
    %sub3A_185 = arith.subf %select_n3A_180, %div3A_169 : vector<16xf32>
    %add3A_186 = arith.addf %sub3A_185, %div3A_169 : vector<16xf32>
    %swap3A_187 = arith.constant 64 : index
    %swap3A_188 = tpu.vector_load %arg7[%swap3A_187] {strides = array<i32>} : memref<256xf32, #tpu.memory_space<vmem>>, vector<16xf32>,
    tpu.vector_store %arg7[%swap3A_187], %add3A_186 {strides = array<i32>} : memref<256xf32, #tpu.memory_space<vmem>>, vector<16xf32>,
    %iota3A_189 = tpu.iota {dimensions = array<i32: 0>} : vector<16xi32>
    %mul3A_190 = arith.constant 2 : i32
    %mul3A_191 = vector.broadcast %mul3A_190 : i32 to vector<16xi32>
    %mul3A_192 = arith.muli %mul3A_191, %iota3A_189 : vector<16xi32>
    %add3A_193 = arith.constant 160 : i32
    %add3A_194 = vector.broadcast %add3A_193 : i32 to vector<16xi32>
    %add3A_195 = arith.addi %add3A_194, %mul3A_192 : vector<16xi32>
    %gather3A_196 = tpu.vector_load_idx %arg5[%add3A_195] : memref<512xf32, #tpu.memory_space<vmem>>[vector<16xi32>], vector<16xf32>,
    %add3A_197 = arith.constant 1 : i32
    %add3A_198 = vector.broadcast %add3A_197 : i32 to vector<16xi32>
    %add3A_199 = arith.addi %add3A_195, %add3A_198 : vector<16xi32>
    %gather3A_200 = tpu.vector_load_idx %arg5[%add3A_199] : memref<512xf32, #tpu.memory_space<vmem>>[vector<16xi32>], vector<16xf32>,
    %max3A_201 = arith.maximumf %gather3A_196, %gather3A_200 : vector<16xf32>
    %sub3A_202 = arith.subf %gather3A_196, %max3A_201 : vector<16xf32>
    %exp3A_203 = math.exp %sub3A_202 : vector<16xf32>
    %sub3A_204 = arith.subf %gather3A_200, %max3A_201 : vector<16xf32>
    %exp3A_205 = math.exp %sub3A_204 : vector<16xf32>
    %add3A_206 = arith.addf %exp3A_203, %exp3A_205 : vector<16xf32>
    %div3A_207 = arith.divf %exp3A_203, %add3A_206 : vector<16xf32>
    %div3A_208 = arith.divf %exp3A_205, %add3A_206 : vector<16xf32>
    %ge3A_209 = arith.cmpf oge, %gather3A_196, %gather3A_200 : vector<16xf32>
    %jit3A_210 = arith.constant 1.000000e+00 : f32
    %jit3A_211 = arith.constant 0.000000e+00 : f32
    %broadcast_in_dim3A_212 = vector.broadcast %jit3A_210 : f32 to vector<16xf32>
    %broadcast_in_dim3A_213 = vector.broadcast %jit3A_211 : f32 to vector<16xf32>
    %select_n3A_214 = arith.select %ge3A_209, %broadcast_in_dim3A_212, %broadcast_in_dim3A_213 : vector<16xi1>, vector<16xf32>
    %jit3A_215 = arith.constant 0.000000e+00 : f32
    %jit3A_216 = arith.constant 1.000000e+00 : f32
    %broadcast_in_dim3A_217 = vector.broadcast %jit3A_215 : f32 to vector<16xf32>
    %broadcast_in_dim3A_218 = vector.broadcast %jit3A_216 : f32 to vector<16xf32>
    %select_n3A_219 = arith.select %ge3A_209, %broadcast_in_dim3A_217, %broadcast_in_dim3A_218 : vector<16xi1>, vector<16xf32>
    %sub3A_220 = arith.subf %select_n3A_214, %div3A_207 : vector<16xf32>
    %add3A_221 = arith.addf %sub3A_220, %div3A_207 : vector<16xf32>
    %swap3A_222 = arith.constant 80 : index
    %swap3A_223 = tpu.vector_load %arg6[%swap3A_222] {strides = array<i32>} : memref<256xf32, #tpu.memory_space<vmem>>, vector<16xf32>,
    tpu.vector_store %arg6[%swap3A_222], %add3A_221 {strides = array<i32>} : memref<256xf32, #tpu.memory_space<vmem>>, vector<16xf32>,
    %sub3A_224 = arith.subf %select_n3A_219, %div3A_208 : vector<16xf32>
    %add3A_225 = arith.addf %sub3A_224, %div3A_208 : vector<16xf32>
    %swap3A_226 = arith.constant 80 : index
    %swap3A_227 = tpu.vector_load %arg7[%swap3A_226] {strides = array<i32>} : memref<256xf32, #tpu.memory_space<vmem>>, vector<16xf32>,
    tpu.vector_store %arg7[%swap3A_226], %add3A_225 {strides = array<i32>} : memref<256xf32, #tpu.memory_space<vmem>>, vector<16xf32>,
    %iota3A_228 = tpu.iota {dimensions = array<i32: 0>} : vector<16xi32>
    %mul3A_229 = arith.constant 2 : i32
    %mul3A_230 = vector.broadcast %mul3A_229 : i32 to vector<16xi32>
    %mul3A_231 = arith.muli %mul3A_230, %iota3A_228 : vector<16xi32>
    %add3A_232 = arith.constant 192 : i32
    %add3A_233 = vector.broadcast %add3A_232 : i32 to vector<16xi32>
    %add3A_234 = arith.addi %add3A_233, %mul3A_231 : vector<16xi32>
    %gather3A_235 = tpu.vector_load_idx %arg5[%add3A_234] : memref<512xf32, #tpu.memory_space<vmem>>[vector<16xi32>], vector<16xf32>,
    %add3A_236 = arith.constant 1 : i32
    %add3A_237 = vector.broadcast %add3A_236 : i32 to vector<16xi32>
    %add3A_238 = arith.addi %add3A_234, %add3A_237 : vector<16xi32>
    %gather3A_239 = tpu.vector_load_idx %arg5[%add3A_238] : memref<512xf32, #tpu.memory_space<vmem>>[vector<16xi32>], vector<16xf32>,
    %max3A_240 = arith.maximumf %gather3A_235, %gather3A_239 : vector<16xf32>
    %sub3A_241 = arith.subf %gather3A_235, %max3A_240 : vector<16xf32>
    %exp3A_242 = math.exp %sub3A_241 : vector<16xf32>
    %sub3A_243 = arith.subf %gather3A_239, %max3A_240 : vector<16xf32>
    %exp3A_244 = math.exp %sub3A_243 : vector<16xf32>
    %add3A_245 = arith.addf %exp3A_242, %exp3A_244 : vector<16xf32>
    %div3A_246 = arith.divf %exp3A_242, %add3A_245 : vector<16xf32>
    %div3A_247 = arith.divf %exp3A_244, %add3A_245 : vector<16xf32>
    %ge3A_248 = arith.cmpf oge, %gather3A_235, %gather3A_239 : vector<16xf32>
    %jit3A_249 = arith.constant 1.000000e+00 : f32
    %jit3A_250 = arith.constant 0.000000e+00 : f32
    %broadcast_in_dim3A_251 = vector.broadcast %jit3A_249 : f32 to vector<16xf32>
    %broadcast_in_dim3A_252 = vector.broadcast %jit3A_250 : f32 to vector<16xf32>
    %select_n3A_253 = arith.select %ge3A_248, %broadcast_in_dim3A_251, %broadcast_in_dim3A_252 : vector<16xi1>, vector<16xf32>
    %jit3A_254 = arith.constant 0.000000e+00 : f32
    %jit3A_255 = arith.constant 1.000000e+00 : f32
    %broadcast_in_dim3A_256 = vector.broadcast %jit3A_254 : f32 to vector<16xf32>
    %broadcast_in_dim3A_257 = vector.broadcast %jit3A_255 : f32 to vector<16xf32>
    %select_n3A_258 = arith.select %ge3A_248, %broadcast_in_dim3A_256, %broadcast_in_dim3A_257 : vector<16xi1>, vector<16xf32>
    %sub3A_259 = arith.subf %select_n3A_253, %div3A_246 : vector<16xf32>
    %add3A_260 = arith.addf %sub3A_259, %div3A_246 : vector<16xf32>
    %swap3A_261 = arith.constant 96 : index
    %swap3A_262 = tpu.vector_load %arg6[%swap3A_261] {strides = array<i32>} : memref<256xf32, #tpu.memory_space<vmem>>, vector<16xf32>,
    tpu.vector_store %arg6[%swap3A_261], %add3A_260 {strides = array<i32>} : memref<256xf32, #tpu.memory_space<vmem>>, vector<16xf32>,
    %sub3A_263 = arith.subf %select_n3A_258, %div3A_247 : vector<16xf32>
    %add3A_264 = arith.addf %sub3A_263, %div3A_247 : vector<16xf32>
    %swap3A_265 = arith.constant 96 : index
    %swap3A_266 = tpu.vector_load %arg7[%swap3A_265] {strides = array<i32>} : memref<256xf32, #tpu.memory_space<vmem>>, vector<16xf32>,
    tpu.vector_store %arg7[%swap3A_265], %add3A_264 {strides = array<i32>} : memref<256xf32, #tpu.memory_space<vmem>>, vector<16xf32>,
    %iota3A_267 = tpu.iota {dimensions = array<i32: 0>} : vector<16xi32>
    %mul3A_268 = arith.constant 2 : i32
    %mul3A_269 = vector.broadcast %mul3A_268 : i32 to vector<16xi32>
    %mul3A_270 = arith.muli %mul3A_269, %iota3A_267 : vector<16xi32>
    %add3A_271 = arith.constant 224 : i32
    %add3A_272 = vector.broadcast %add3A_271 : i32 to vector<16xi32>
    %add3A_273 = arith.addi %add3A_272, %mul3A_270 : vector<16xi32>
    %gather3A_274 = tpu.vector_load_idx %arg5[%add3A_273] : memref<512xf32, #tpu.memory_space<vmem>>[vector<16xi32>], vector<16xf32>,
    %add3A_275 = arith.constant 1 : i32
    %add3A_276 = vector.broadcast %add3A_275 : i32 to vector<16xi32>
    %add3A_277 = arith.addi %add3A_273, %add3A_276 : vector<16xi32>
    %gather3A_278 = tpu.vector_load_idx %arg5[%add3A_277] : memref<512xf32, #tpu.memory_space<vmem>>[vector<16xi32>], vector<16xf32>,
    %max3A_279 = arith.maximumf %gather3A_274, %gather3A_278 : vector<16xf32>
    %sub3A_280 = arith.subf %gather3A_274, %max3A_279 : vector<16xf32>
    %exp3A_281 = math.exp %sub3A_280 : vector<16xf32>
    %sub3A_282 = arith.subf %gather3A_278, %max3A_279 : vector<16xf32>
    %exp3A_283 = math.exp %sub3A_282 : vector<16xf32>
    %add3A_284 = arith.addf %exp3A_281, %exp3A_283 : vector<16xf32>
    %div3A_285 = arith.divf %exp3A_281, %add3A_284 : vector<16xf32>
    %div3A_286 = arith.divf %exp3A_283, %add3A_284 : vector<16xf32>
    %ge3A_287 = arith.cmpf oge, %gather3A_274, %gather3A_278 : vector<16xf32>
    %jit3A_288 = arith.constant 1.000000e+00 : f32
    %jit3A_289 = arith.constant 0.000000e+00 : f32
    %broadcast_in_dim3A_290 = vector.broadcast %jit3A_288 : f32 to vector<16xf32>
    %broadcast_in_dim3A_291 = vector.broadcast %jit3A_289 : f32 to vector<16xf32>
    %select_n3A_292 = arith.select %ge3A_287, %broadcast_in_dim3A_290, %broadcast_in_dim3A_291 : vector<16xi1>, vector<16xf32>
    %jit3A_293 = arith.constant 0.000000e+00 : f32
    %jit3A_294 = arith.constant 1.000000e+00 : f32
    %broadcast_in_dim3A_295 = vector.broadcast %jit3A_293 : f32 to vector<16xf32>
    %broadcast_in_dim3A_296 = vector.broadcast %jit3A_294 : f32 to vector<16xf32>
    %select_n3A_297 = arith.select %ge3A_287, %broadcast_in_dim3A_295, %broadcast_in_dim3A_296 : vector<16xi1>, vector<16xf32>
    %sub3A_298 = arith.subf %select_n3A_292, %div3A_285 : vector<16xf32>
    %add3A_299 = arith.addf %sub3A_298, %div3A_285 : vector<16xf32>
    %swap3A_300 = arith.constant 112 : index
    %swap3A_301 = tpu.vector_load %arg6[%swap3A_300] {strides = array<i32>} : memref<256xf32, #tpu.memory_space<vmem>>, vector<16xf32>,
    tpu.vector_store %arg6[%swap3A_300], %add3A_299 {strides = array<i32>} : memref<256xf32, #tpu.memory_space<vmem>>, vector<16xf32>,
    %sub3A_302 = arith.subf %select_n3A_297, %div3A_286 : vector<16xf32>
    %add3A_303 = arith.addf %sub3A_302, %div3A_286 : vector<16xf32>
    %swap3A_304 = arith.constant 112 : index
    %swap3A_305 = tpu.vector_load %arg7[%swap3A_304] {strides = array<i32>} : memref<256xf32, #tpu.memory_space<vmem>>, vector<16xf32>,
    tpu.vector_store %arg7[%swap3A_304], %add3A_303 {strides = array<i32>} : memref<256xf32, #tpu.memory_space<vmem>>, vector<16xf32>,
    %iota3A_306 = tpu.iota {dimensions = array<i32: 0>} : vector<16xi32>
    %mul3A_307 = arith.constant 2 : i32
    %mul3A_308 = vector.broadcast %mul3A_307 : i32 to vector<16xi32>
    %mul3A_309 = arith.muli %mul3A_308, %iota3A_306 : vector<16xi32>
    %add3A_310 = arith.constant 256 : i32
    %add3A_311 = vector.broadcast %add3A_310 : i32 to vector<16xi32>
    %add3A_312 = arith.addi %add3A_311, %mul3A_309 : vector<16xi32>
    %gather3A_313 = tpu.vector_load_idx %arg5[%add3A_312] : memref<512xf32, #tpu.memory_space<vmem>>[vector<16xi32>], vector<16xf32>,
    %add3A_314 = arith.constant 1 : i32
    %add3A_315 = vector.broadcast %add3A_314 : i32 to vector<16xi32>
    %add3A_316 = arith.addi %add3A_312, %add3A_315 : vector<16xi32>
    %gather3A_317 = tpu.vector_load_idx %arg5[%add3A_316] : memref<512xf32, #tpu.memory_space<vmem>>[vector<16xi32>], vector<16xf32>,
    %max3A_318 = arith.maximumf %gather3A_313, %gather3A_317 : vector<16xf32>
    %sub3A_319 = arith.subf %gather3A_313, %max3A_318 : vector<16xf32>
    %exp3A_320 = math.exp %sub3A_319 : vector<16xf32>
    %sub3A_321 = arith.subf %gather3A_317, %max3A_318 : vector<16xf32>
    %exp3A_322 = math.exp %sub3A_321 : vector<16xf32>
    %add3A_323 = arith.addf %exp3A_320, %exp3A_322 : vector<16xf32>
    %div3A_324 = arith.divf %exp3A_320, %add3A_323 : vector<16xf32>
    %div3A_325 = arith.divf %exp3A_322, %add3A_323 : vector<16xf32>
    %ge3A_326 = arith.cmpf oge, %gather3A_313, %gather3A_317 : vector<16xf32>
    %jit3A_327 = arith.constant 1.000000e+00 : f32
    %jit3A_328 = arith.constant 0.000000e+00 : f32
    %broadcast_in_dim3A_329 = vector.broadcast %jit3A_327 : f32 to vector<16xf32>
    %broadcast_in_dim3A_330 = vector.broadcast %jit3A_328 : f32 to vector<16xf32>
    %select_n3A_331 = arith.select %ge3A_326, %broadcast_in_dim3A_329, %broadcast_in_dim3A_330 : vector<16xi1>, vector<16xf32>
    %jit3A_332 = arith.constant 0.000000e+00 : f32
    %jit3A_333 = arith.constant 1.000000e+00 : f32
    %broadcast_in_dim3A_334 = vector.broadcast %jit3A_332 : f32 to vector<16xf32>
    %broadcast_in_dim3A_335 = vector.broadcast %jit3A_333 : f32 to vector<16xf32>
    %select_n3A_336 = arith.select %ge3A_326, %broadcast_in_dim3A_334, %broadcast_in_dim3A_335 : vector<16xi1>, vector<16xf32>
    %sub3A_337 = arith.subf %select_n3A_331, %div3A_324 : vector<16xf32>
    %add3A_338 = arith.addf %sub3A_337, %div3A_324 : vector<16xf32>
    %swap3A_339 = arith.constant 128 : index
    %swap3A_340 = tpu.vector_load %arg6[%swap3A_339] {strides = array<i32>} : memref<256xf32, #tpu.memory_space<vmem>>, vector<16xf32>,
    tpu.vector_store %arg6[%swap3A_339], %add3A_338 {strides = array<i32>} : memref<256xf32, #tpu.memory_space<vmem>>, vector<16xf32>,
    %sub3A_341 = arith.subf %select_n3A_336, %div3A_325 : vector<16xf32>
    %add3A_342 = arith.addf %sub3A_341, %div3A_325 : vector<16xf32>
    %swap3A_343 = arith.constant 128 : index
    %swap3A_344 = tpu.vector_load %arg7[%swap3A_343] {strides = array<i32>} : memref<256xf32, #tpu.memory_space<vmem>>, vector<16xf32>,
    tpu.vector_store %arg7[%swap3A_343], %add3A_342 {strides = array<i32>} : memref<256xf32, #tpu.memory_space<vmem>>, vector<16xf32>,
    %iota3A_345 = tpu.iota {dimensions = array<i32: 0>} : vector<16xi32>
    %mul3A_346 = arith.constant 2 : i32
    %mul3A_347 = vector.broadcast %mul3A_346 : i32 to vector<16xi32>
    %mul3A_348 = arith.muli %mul3A_347, %iota3A_345 : vector<16xi32>
    %add3A_349 = arith.constant 288 : i32
    %add3A_350 = vector.broadcast %add3A_349 : i32 to vector<16xi32>
    %add3A_351 = arith.addi %add3A_350, %mul3A_348 : vector<16xi32>
    %gather3A_352 = tpu.vector_load_idx %arg5[%add3A_351] : memref<512xf32, #tpu.memory_space<vmem>>[vector<16xi32>], vector<16xf32>,
    %add3A_353 = arith.constant 1 : i32
    %add3A_354 = vector.broadcast %add3A_353 : i32 to vector<16xi32>
    %add3A_355 = arith.addi %add3A_351, %add3A_354 : vector<16xi32>
    %gather3A_356 = tpu.vector_load_idx %arg5[%add3A_355] : memref<512xf32, #tpu.memory_space<vmem>>[vector<16xi32>], vector<16xf32>,
    %max3A_357 = arith.maximumf %gather3A_352, %gather3A_356 : vector<16xf32>
    %sub3A_358 = arith.subf %gather3A_352, %max3A_357 : vector<16xf32>
    %exp3A_359 = math.exp %sub3A_358 : vector<16xf32>
    %sub3A_360 = arith.subf %gather3A_356, %max3A_357 : vector<16xf32>
    %exp3A_361 = math.exp %sub3A_360 : vector<16xf32>
    %add3A_362 = arith.addf %exp3A_359, %exp3A_361 : vector<16xf32>
    %div3A_363 = arith.divf %exp3A_359, %add3A_362 : vector<16xf32>
    %div3A_364 = arith.divf %exp3A_361, %add3A_362 : vector<16xf32>
    %ge3A_365 = arith.cmpf oge, %gather3A_352, %gather3A_356 : vector<16xf32>
    %jit3A_366 = arith.constant 1.000000e+00 : f32
    %jit3A_367 = arith.constant 0.000000e+00 : f32
    %broadcast_in_dim3A_368 = vector.broadcast %jit3A_366 : f32 to vector<16xf32>
    %broadcast_in_dim3A_369 = vector.broadcast %jit3A_367 : f32 to vector<16xf32>
    %select_n3A_370 = arith.select %ge3A_365, %broadcast_in_dim3A_368, %broadcast_in_dim3A_369 : vector<16xi1>, vector<16xf32>
    %jit3A_371 = arith.constant 0.000000e+00 : f32
    %jit3A_372 = arith.constant 1.000000e+00 : f32
    %broadcast_in_dim3A_373 = vector.broadcast %jit3A_371 : f32 to vector<16xf32>
    %broadcast_in_dim3A_374 = vector.broadcast %jit3A_372 : f32 to vector<16xf32>
    %select_n3A_375 = arith.select %ge3A_365, %broadcast_in_dim3A_373, %broadcast_in_dim3A_374 : vector<16xi1>, vector<16xf32>
    %sub3A_376 = arith.subf %select_n3A_370, %div3A_363 : vector<16xf32>
    %add3A_377 = arith.addf %sub3A_376, %div3A_363 : vector<16xf32>
    %swap3A_378 = arith.constant 144 : index
    %swap3A_379 = tpu.vector_load %arg6[%swap3A_378] {strides = array<i32>} : memref<256xf32, #tpu.memory_space<vmem>>, vector<16xf32>,
    tpu.vector_store %arg6[%swap3A_378], %add3A_377 {strides = array<i32>} : memref<256xf32, #tpu.memory_space<vmem>>, vector<16xf32>,
    %sub3A_380 = arith.subf %select_n3A_375, %div3A_364 : vector<16xf32>
    %add3A_381 = arith.addf %sub3A_380, %div3A_364 : vector<16xf32>
    %swap3A_382 = arith.constant 144 : index
    %swap3A_383 = tpu.vector_load %arg7[%swap3A_382] {strides = array<i32>} : memref<256xf32, #tpu.memory_space<vmem>>, vector<16xf32>,
    tpu.vector_store %arg7[%swap3A_382], %add3A_381 {strides = array<i32>} : memref<256xf32, #tpu.memory_space<vmem>>, vector<16xf32>,
    %iota3A_384 = tpu.iota {dimensions = array<i32: 0>} : vector<16xi32>
    %mul3A_385 = arith.constant 2 : i32
    %mul3A_386 = vector.broadcast %mul3A_385 : i32 to vector<16xi32>
    %mul3A_387 = arith.muli %mul3A_386, %iota3A_384 : vector<16xi32>
    %add3A_388 = arith.constant 320 : i32
    %add3A_389 = vector.broadcast %add3A_388 : i32 to vector<16xi32>
    %add3A_390 = arith.addi %add3A_389, %mul3A_387 : vector<16xi32>
    %gather3A_391 = tpu.vector_load_idx %arg5[%add3A_390] : memref<512xf32, #tpu.memory_space<vmem>>[vector<16xi32>], vector<16xf32>,
    %add3A_392 = arith.constant 1 : i32
    %add3A_393 = vector.broadcast %add3A_392 : i32 to vector<16xi32>
    %add3A_394 = arith.addi %add3A_390, %add3A_393 : vector<16xi32>
    %gather3A_395 = tpu.vector_load_idx %arg5[%add3A_394] : memref<512xf32, #tpu.memory_space<vmem>>[vector<16xi32>], vector<16xf32>,
    %max3A_396 = arith.maximumf %gather3A_391, %gather3A_395 : vector<16xf32>
    %sub3A_397 = arith.subf %gather3A_391, %max3A_396 : vector<16xf32>
    %exp3A_398 = math.exp %sub3A_397 : vector<16xf32>
    %sub3A_399 = arith.subf %gather3A_395, %max3A_396 : vector<16xf32>
    %exp3A_400 = math.exp %sub3A_399 : vector<16xf32>
    %add3A_401 = arith.addf %exp3A_398, %exp3A_400 : vector<16xf32>
    %div3A_402 = arith.divf %exp3A_398, %add3A_401 : vector<16xf32>
    %div3A_403 = arith.divf %exp3A_400, %add3A_401 : vector<16xf32>
    %ge3A_404 = arith.cmpf oge, %gather3A_391, %gather3A_395 : vector<16xf32>
    %jit3A_405 = arith.constant 1.000000e+00 : f32
    %jit3A_406 = arith.constant 0.000000e+00 : f32
    %broadcast_in_dim3A_407 = vector.broadcast %jit3A_405 : f32 to vector<16xf32>
    %broadcast_in_dim3A_408 = vector.broadcast %jit3A_406 : f32 to vector<16xf32>
    %select_n3A_409 = arith.select %ge3A_404, %broadcast_in_dim3A_407, %broadcast_in_dim3A_408 : vector<16xi1>, vector<16xf32>
    %jit3A_410 = arith.constant 0.000000e+00 : f32
    %jit3A_411 = arith.constant 1.000000e+00 : f32
    %broadcast_in_dim3A_412 = vector.broadcast %jit3A_410 : f32 to vector<16xf32>
    %broadcast_in_dim3A_413 = vector.broadcast %jit3A_411 : f32 to vector<16xf32>
    %select_n3A_414 = arith.select %ge3A_404, %broadcast_in_dim3A_412, %broadcast_in_dim3A_413 : vector<16xi1>, vector<16xf32>
    %sub3A_415 = arith.subf %select_n3A_409, %div3A_402 : vector<16xf32>
    %add3A_416 = arith.addf %sub3A_415, %div3A_402 : vector<16xf32>
    %swap3A_417 = arith.constant 160 : index
    %swap3A_418 = tpu.vector_load %arg6[%swap3A_417] {strides = array<i32>} : memref<256xf32, #tpu.memory_space<vmem>>, vector<16xf32>,
    tpu.vector_store %arg6[%swap3A_417], %add3A_416 {strides = array<i32>} : memref<256xf32, #tpu.memory_space<vmem>>, vector<16xf32>,
    %sub3A_419 = arith.subf %select_n3A_414, %div3A_403 : vector<16xf32>
    %add3A_420 = arith.addf %sub3A_419, %div3A_403 : vector<16xf32>
    %swap3A_421 = arith.constant 160 : index
    %swap3A_422 = tpu.vector_load %arg7[%swap3A_421] {strides = array<i32>} : memref<256xf32, #tpu.memory_space<vmem>>, vector<16xf32>,
    tpu.vector_store %arg7[%swap3A_421], %add3A_420 {strides = array<i32>} : memref<256xf32, #tpu.memory_space<vmem>>, vector<16xf32>,
    %iota3A_423 = tpu.iota {dimensions = array<i32: 0>} : vector<16xi32>
    %mul3A_424 = arith.constant 2 : i32
    %mul3A_425 = vector.broadcast %mul3A_424 : i32 to vector<16xi32>
    %mul3A_426 = arith.muli %mul3A_425, %iota3A_423 : vector<16xi32>
    %add3A_427 = arith.constant 352 : i32
    %add3A_428 = vector.broadcast %add3A_427 : i32 to vector<16xi32>
    %add3A_429 = arith.addi %add3A_428, %mul3A_426 : vector<16xi32>
    %gather3A_430 = tpu.vector_load_idx %arg5[%add3A_429] : memref<512xf32, #tpu.memory_space<vmem>>[vector<16xi32>], vector<16xf32>,
    %add3A_431 = arith.constant 1 : i32
    %add3A_432 = vector.broadcast %add3A_431 : i32 to vector<16xi32>
    %add3A_433 = arith.addi %add3A_429, %add3A_432 : vector<16xi32>
    %gather3A_434 = tpu.vector_load_idx %arg5[%add3A_433] : memref<512xf32, #tpu.memory_space<vmem>>[vector<16xi32>], vector<16xf32>,
    %max3A_435 = arith.maximumf %gather3A_430, %gather3A_434 : vector<16xf32>
    %sub3A_436 = arith.subf %gather3A_430, %max3A_435 : vector<16xf32>
    %exp3A_437 = math.exp %sub3A_436 : vector<16xf32>
    %sub3A_438 = arith.subf %gather3A_434, %max3A_435 : vector<16xf32>
    %exp3A_439 = math.exp %sub3A_438 : vector<16xf32>
    %add3A_440 = arith.addf %exp3A_437, %exp3A_439 : vector<16xf32>
    %div3A_441 = arith.divf %exp3A_437, %add3A_440 : vector<16xf32>
    %div3A_442 = arith.divf %exp3A_439, %add3A_440 : vector<16xf32>
    %ge3A_443 = arith.cmpf oge, %gather3A_430, %gather3A_434 : vector<16xf32>
    %jit3A_444 = arith.constant 1.000000e+00 : f32
    %jit3A_445 = arith.constant 0.000000e+00 : f32
    %broadcast_in_dim3A_446 = vector.broadcast %jit3A_444 : f32 to vector<16xf32>
    %broadcast_in_dim3A_447 = vector.broadcast %jit3A_445 : f32 to vector<16xf32>
    %select_n3A_448 = arith.select %ge3A_443, %broadcast_in_dim3A_446, %broadcast_in_dim3A_447 : vector<16xi1>, vector<16xf32>
    %jit3A_449 = arith.constant 0.000000e+00 : f32
    %jit3A_450 = arith.constant 1.000000e+00 : f32
    %broadcast_in_dim3A_451 = vector.broadcast %jit3A_449 : f32 to vector<16xf32>
    %broadcast_in_dim3A_452 = vector.broadcast %jit3A_450 : f32 to vector<16xf32>
    %select_n3A_453 = arith.select %ge3A_443, %broadcast_in_dim3A_451, %broadcast_in_dim3A_452 : vector<16xi1>, vector<16xf32>
    %sub3A_454 = arith.subf %select_n3A_448, %div3A_441 : vector<16xf32>
    %add3A_455 = arith.addf %sub3A_454, %div3A_441 : vector<16xf32>
    %swap3A_456 = arith.constant 176 : index
    %swap3A_457 = tpu.vector_load %arg6[%swap3A_456] {strides = array<i32>} : memref<256xf32, #tpu.memory_space<vmem>>, vector<16xf32>,
    tpu.vector_store %arg6[%swap3A_456], %add3A_455 {strides = array<i32>} : memref<256xf32, #tpu.memory_space<vmem>>, vector<16xf32>,
    %sub3A_458 = arith.subf %select_n3A_453, %div3A_442 : vector<16xf32>
    %add3A_459 = arith.addf %sub3A_458, %div3A_442 : vector<16xf32>
    %swap3A_460 = arith.constant 176 : index
    %swap3A_461 = tpu.vector_load %arg7[%swap3A_460] {strides = array<i32>} : memref<256xf32, #tpu.memory_space<vmem>>, vector<16xf32>,
    tpu.vector_store %arg7[%swap3A_460], %add3A_459 {strides = array<i32>} : memref<256xf32, #tpu.memory_space<vmem>>, vector<16xf32>,
    %iota3A_462 = tpu.iota {dimensions = array<i32: 0>} : vector<16xi32>
    %mul3A_463 = arith.constant 2 : i32
    %mul3A_464 = vector.broadcast %mul3A_463 : i32 to vector<16xi32>
    %mul3A_465 = arith.muli %mul3A_464, %iota3A_462 : vector<16xi32>
    %add3A_466 = arith.constant 384 : i32
    %add3A_467 = vector.broadcast %add3A_466 : i32 to vector<16xi32>
    %add3A_468 = arith.addi %add3A_467, %mul3A_465 : vector<16xi32>
    %gather3A_469 = tpu.vector_load_idx %arg5[%add3A_468] : memref<512xf32, #tpu.memory_space<vmem>>[vector<16xi32>], vector<16xf32>,
    %add3A_470 = arith.constant 1 : i32
    %add3A_471 = vector.broadcast %add3A_470 : i32 to vector<16xi32>
    %add3A_472 = arith.addi %add3A_468, %add3A_471 : vector<16xi32>
    %gather3A_473 = tpu.vector_load_idx %arg5[%add3A_472] : memref<512xf32, #tpu.memory_space<vmem>>[vector<16xi32>], vector<16xf32>,
    %max3A_474 = arith.maximumf %gather3A_469, %gather3A_473 : vector<16xf32>
    %sub3A_475 = arith.subf %gather3A_469, %max3A_474 : vector<16xf32>
    %exp3A_476 = math.exp %sub3A_475 : vector<16xf32>
    %sub3A_477 = arith.subf %gather3A_473, %max3A_474 : vector<16xf32>
    %exp3A_478 = math.exp %sub3A_477 : vector<16xf32>
    %add3A_479 = arith.addf %exp3A_476, %exp3A_478 : vector<16xf32>
    %div3A_480 = arith.divf %exp3A_476, %add3A_479 : vector<16xf32>
    %div3A_481 = arith.divf %exp3A_478, %add3A_479 : vector<16xf32>
    %ge3A_482 = arith.cmpf oge, %gather3A_469, %gather3A_473 : vector<16xf32>
    %jit3A_483 = arith.constant 1.000000e+00 : f32
    %jit3A_484 = arith.constant 0.000000e+00 : f32
    %broadcast_in_dim3A_485 = vector.broadcast %jit3A_483 : f32 to vector<16xf32>
    %broadcast_in_dim3A_486 = vector.broadcast %jit3A_484 : f32 to vector<16xf32>
    %select_n3A_487 = arith.select %ge3A_482, %broadcast_in_dim3A_485, %broadcast_in_dim3A_486 : vector<16xi1>, vector<16xf32>
    %jit3A_488 = arith.constant 0.000000e+00 : f32
    %jit3A_489 = arith.constant 1.000000e+00 : f32
    %broadcast_in_dim3A_490 = vector.broadcast %jit3A_488 : f32 to vector<16xf32>
    %broadcast_in_dim3A_491 = vector.broadcast %jit3A_489 : f32 to vector<16xf32>
    %select_n3A_492 = arith.select %ge3A_482, %broadcast_in_dim3A_490, %broadcast_in_dim3A_491 : vector<16xi1>, vector<16xf32>
    %sub3A_493 = arith.subf %select_n3A_487, %div3A_480 : vector<16xf32>
    %add3A_494 = arith.addf %sub3A_493, %div3A_480 : vector<16xf32>
    %swap3A_495 = arith.constant 192 : index
    %swap3A_496 = tpu.vector_load %arg6[%swap3A_495] {strides = array<i32>} : memref<256xf32, #tpu.memory_space<vmem>>, vector<16xf32>,
    tpu.vector_store %arg6[%swap3A_495], %add3A_494 {strides = array<i32>} : memref<256xf32, #tpu.memory_space<vmem>>, vector<16xf32>,
    %sub3A_497 = arith.subf %select_n3A_492, %div3A_481 : vector<16xf32>
    %add3A_498 = arith.addf %sub3A_497, %div3A_481 : vector<16xf32>
    %swap3A_499 = arith.constant 192 : index
    %swap3A_500 = tpu.vector_load %arg7[%swap3A_499] {strides = array<i32>} : memref<256xf32, #tpu.memory_space<vmem>>, vector<16xf32>,
    tpu.vector_store %arg7[%swap3A_499], %add3A_498 {strides = array<i32>} : memref<256xf32, #tpu.memory_space<vmem>>, vector<16xf32>,
    %iota3A_501 = tpu.iota {dimensions = array<i32: 0>} : vector<16xi32>
    %mul3A_502 = arith.constant 2 : i32
    %mul3A_503 = vector.broadcast %mul3A_502 : i32 to vector<16xi32>
    %mul3A_504 = arith.muli %mul3A_503, %iota3A_501 : vector<16xi32>
    %add3A_505 = arith.constant 416 : i32
    %add3A_506 = vector.broadcast %add3A_505 : i32 to vector<16xi32>
    %add3A_507 = arith.addi %add3A_506, %mul3A_504 : vector<16xi32>
    %gather3A_508 = tpu.vector_load_idx %arg5[%add3A_507] : memref<512xf32, #tpu.memory_space<vmem>>[vector<16xi32>], vector<16xf32>,
    %add3A_509 = arith.constant 1 : i32
    %add3A_510 = vector.broadcast %add3A_509 : i32 to vector<16xi32>
    %add3A_511 = arith.addi %add3A_507, %add3A_510 : vector<16xi32>
    %gather3A_512 = tpu.vector_load_idx %arg5[%add3A_511] : memref<512xf32, #tpu.memory_space<vmem>>[vector<16xi32>], vector<16xf32>,
    %max3A_513 = arith.maximumf %gather3A_508, %gather3A_512 : vector<16xf32>
    %sub3A_514 = arith.subf %gather3A_508, %max3A_513 : vector<16xf32>
    %exp3A_515 = math.exp %sub3A_514 : vector<16xf32>
    %sub3A_516 = arith.subf %gather3A_512, %max3A_513 : vector<16xf32>
    %exp3A_517 = math.exp %sub3A_516 : vector<16xf32>
    %add3A_518 = arith.addf %exp3A_515, %exp3A_517 : vector<16xf32>
    %div3A_519 = arith.divf %exp3A_515, %add3A_518 : vector<16xf32>
    %div3A_520 = arith.divf %exp3A_517, %add3A_518 : vector<16xf32>
    %ge3A_521 = arith.cmpf oge, %gather3A_508, %gather3A_512 : vector<16xf32>
    %jit3A_522 = arith.constant 1.000000e+00 : f32
    %jit3A_523 = arith.constant 0.000000e+00 : f32
    %broadcast_in_dim3A_524 = vector.broadcast %jit3A_522 : f32 to vector<16xf32>
    %broadcast_in_dim3A_525 = vector.broadcast %jit3A_523 : f32 to vector<16xf32>
    %select_n3A_526 = arith.select %ge3A_521, %broadcast_in_dim3A_524, %broadcast_in_dim3A_525 : vector<16xi1>, vector<16xf32>
    %jit3A_527 = arith.constant 0.000000e+00 : f32
    %jit3A_528 = arith.constant 1.000000e+00 : f32
    %broadcast_in_dim3A_529 = vector.broadcast %jit3A_527 : f32 to vector<16xf32>
    %broadcast_in_dim3A_530 = vector.broadcast %jit3A_528 : f32 to vector<16xf32>
    %select_n3A_531 = arith.select %ge3A_521, %broadcast_in_dim3A_529, %broadcast_in_dim3A_530 : vector<16xi1>, vector<16xf32>
    %sub3A_532 = arith.subf %select_n3A_526, %div3A_519 : vector<16xf32>
    %add3A_533 = arith.addf %sub3A_532, %div3A_519 : vector<16xf32>
    %swap3A_534 = arith.constant 208 : index
    %swap3A_535 = tpu.vector_load %arg6[%swap3A_534] {strides = array<i32>} : memref<256xf32, #tpu.memory_space<vmem>>, vector<16xf32>,
    tpu.vector_store %arg6[%swap3A_534], %add3A_533 {strides = array<i32>} : memref<256xf32, #tpu.memory_space<vmem>>, vector<16xf32>,
    %sub3A_536 = arith.subf %select_n3A_531, %div3A_520 : vector<16xf32>
    %add3A_537 = arith.addf %sub3A_536, %div3A_520 : vector<16xf32>
    %swap3A_538 = arith.constant 208 : index
    %swap3A_539 = tpu.vector_load %arg7[%swap3A_538] {strides = array<i32>} : memref<256xf32, #tpu.memory_space<vmem>>, vector<16xf32>,
    tpu.vector_store %arg7[%swap3A_538], %add3A_537 {strides = array<i32>} : memref<256xf32, #tpu.memory_space<vmem>>, vector<16xf32>,
    %iota3A_540 = tpu.iota {dimensions = array<i32: 0>} : vector<16xi32>
    %mul3A_541 = arith.constant 2 : i32
    %mul3A_542 = vector.broadcast %mul3A_541 : i32 to vector<16xi32>
    %mul3A_543 = arith.muli %mul3A_542, %iota3A_540 : vector<16xi32>
    %add3A_544 = arith.constant 448 : i32
    %add3A_545 = vector.broadcast %add3A_544 : i32 to vector<16xi32>
    %add3A_546 = arith.addi %add3A_545, %mul3A_543 : vector<16xi32>
    %gather3A_547 = tpu.vector_load_idx %arg5[%add3A_546] : memref<512xf32, #tpu.memory_space<vmem>>[vector<16xi32>], vector<16xf32>,
    %add3A_548 = arith.constant 1 : i32
    %add3A_549 = vector.broadcast %add3A_548 : i32 to vector<16xi32>
    %add3A_550 = arith.addi %add3A_546, %add3A_549 : vector<16xi32>
    %gather3A_551 = tpu.vector_load_idx %arg5[%add3A_550] : memref<512xf32, #tpu.memory_space<vmem>>[vector<16xi32>], vector<16xf32>,
    %max3A_552 = arith.maximumf %gather3A_547, %gather3A_551 : vector<16xf32>
    %sub3A_553 = arith.subf %gather3A_547, %max3A_552 : vector<16xf32>
    %exp3A_554 = math.exp %sub3A_553 : vector<16xf32>
    %sub3A_555 = arith.subf %gather3A_551, %max3A_552 : vector<16xf32>
    %exp3A_556 = math.exp %sub3A_555 : vector<16xf32>
    %add3A_557 = arith.addf %exp3A_554, %exp3A_556 : vector<16xf32>
    %div3A_558 = arith.divf %exp3A_554, %add3A_557 : vector<16xf32>
    %div3A_559 = arith.divf %exp3A_556, %add3A_557 : vector<16xf32>
    %ge3A_560 = arith.cmpf oge, %gather3A_547, %gather3A_551 : vector<16xf32>
    %jit3A_561 = arith.constant 1.000000e+00 : f32
    %jit3A_562 = arith.constant 0.000000e+00 : f32
    %broadcast_in_dim3A_563 = vector.broadcast %jit3A_561 : f32 to vector<16xf32>
    %broadcast_in_dim3A_564 = vector.broadcast %jit3A_562 : f32 to vector<16xf32>
    %select_n3A_565 = arith.select %ge3A_560, %broadcast_in_dim3A_563, %broadcast_in_dim3A_564 : vector<16xi1>, vector<16xf32>
    %jit3A_566 = arith.constant 0.000000e+00 : f32
    %jit3A_567 = arith.constant 1.000000e+00 : f32
    %broadcast_in_dim3A_568 = vector.broadcast %jit3A_566 : f32 to vector<16xf32>
    %broadcast_in_dim3A_569 = vector.broadcast %jit3A_567 : f32 to vector<16xf32>
    %select_n3A_570 = arith.select %ge3A_560, %broadcast_in_dim3A_568, %broadcast_in_dim3A_569 : vector<16xi1>, vector<16xf32>
    %sub3A_571 = arith.subf %select_n3A_565, %div3A_558 : vector<16xf32>
    %add3A_572 = arith.addf %sub3A_571, %div3A_558 : vector<16xf32>
    %swap3A_573 = arith.constant 224 : index
    %swap3A_574 = tpu.vector_load %arg6[%swap3A_573] {strides = array<i32>} : memref<256xf32, #tpu.memory_space<vmem>>, vector<16xf32>,
    tpu.vector_store %arg6[%swap3A_573], %add3A_572 {strides = array<i32>} : memref<256xf32, #tpu.memory_space<vmem>>, vector<16xf32>,
    %sub3A_575 = arith.subf %select_n3A_570, %div3A_559 : vector<16xf32>
    %add3A_576 = arith.addf %sub3A_575, %div3A_559 : vector<16xf32>
    %swap3A_577 = arith.constant 224 : index
    %swap3A_578 = tpu.vector_load %arg7[%swap3A_577] {strides = array<i32>} : memref<256xf32, #tpu.memory_space<vmem>>, vector<16xf32>,
    tpu.vector_store %arg7[%swap3A_577], %add3A_576 {strides = array<i32>} : memref<256xf32, #tpu.memory_space<vmem>>, vector<16xf32>,
    %iota3A_579 = tpu.iota {dimensions = array<i32: 0>} : vector<16xi32>
    %mul3A_580 = arith.constant 2 : i32
    %mul3A_581 = vector.broadcast %mul3A_580 : i32 to vector<16xi32>
    %mul3A_582 = arith.muli %mul3A_581, %iota3A_579 : vector<16xi32>
    %add3A_583 = arith.constant 480 : i32
    %add3A_584 = vector.broadcast %add3A_583 : i32 to vector<16xi32>
    %add3A_585 = arith.addi %add3A_584, %mul3A_582 : vector<16xi32>
    %gather3A_586 = tpu.vector_load_idx %arg5[%add3A_585] : memref<512xf32, #tpu.memory_space<vmem>>[vector<16xi32>], vector<16xf32>,
    %add3A_587 = arith.constant 1 : i32
    %add3A_588 = vector.broadcast %add3A_587 : i32 to vector<16xi32>
    %add3A_589 = arith.addi %add3A_585, %add3A_588 : vector<16xi32>
    %gather3A_590 = tpu.vector_load_idx %arg5[%add3A_589] : memref<512xf32, #tpu.memory_space<vmem>>[vector<16xi32>], vector<16xf32>,
    %max3A_591 = arith.maximumf %gather3A_586, %gather3A_590 : vector<16xf32>
    %sub3A_592 = arith.subf %gather3A_586, %max3A_591 : vector<16xf32>
    %exp3A_593 = math.exp %sub3A_592 : vector<16xf32>
    %sub3A_594 = arith.subf %gather3A_590, %max3A_591 : vector<16xf32>
    %exp3A_595 = math.exp %sub3A_594 : vector<16xf32>
    %add3A_596 = arith.addf %exp3A_593, %exp3A_595 : vector<16xf32>
    %div3A_597 = arith.divf %exp3A_593, %add3A_596 : vector<16xf32>
    %div3A_598 = arith.divf %exp3A_595, %add3A_596 : vector<16xf32>
    %ge3A_599 = arith.cmpf oge, %gather3A_586, %gather3A_590 : vector<16xf32>
    %jit3A_600 = arith.constant 1.000000e+00 : f32
    %jit3A_601 = arith.constant 0.000000e+00 : f32
    %broadcast_in_dim3A_602 = vector.broadcast %jit3A_600 : f32 to vector<16xf32>
    %broadcast_in_dim3A_603 = vector.broadcast %jit3A_601 : f32 to vector<16xf32>
    %select_n3A_604 = arith.select %ge3A_599, %broadcast_in_dim3A_602, %broadcast_in_dim3A_603 : vector<16xi1>, vector<16xf32>
    %jit3A_605 = arith.constant 0.000000e+00 : f32
    %jit3A_606 = arith.constant 1.000000e+00 : f32
    %broadcast_in_dim3A_607 = vector.broadcast %jit3A_605 : f32 to vector<16xf32>
    %broadcast_in_dim3A_608 = vector.broadcast %jit3A_606 : f32 to vector<16xf32>
    %select_n3A_609 = arith.select %ge3A_599, %broadcast_in_dim3A_607, %broadcast_in_dim3A_608 : vector<16xi1>, vector<16xf32>
    %sub3A_610 = arith.subf %select_n3A_604, %div3A_597 : vector<16xf32>
    %add3A_611 = arith.addf %sub3A_610, %div3A_597 : vector<16xf32>
    %swap3A_612 = arith.constant 240 : index
    %swap3A_613 = tpu.vector_load %arg6[%swap3A_612] {strides = array<i32>} : memref<256xf32, #tpu.memory_space<vmem>>, vector<16xf32>,
    tpu.vector_store %arg6[%swap3A_612], %add3A_611 {strides = array<i32>} : memref<256xf32, #tpu.memory_space<vmem>>, vector<16xf32>,
    %sub3A_614 = arith.subf %select_n3A_609, %div3A_598 : vector<16xf32>
    %add3A_615 = arith.addf %sub3A_614, %div3A_598 : vector<16xf32>
    %swap3A_616 = arith.constant 240 : index
    %swap3A_617 = tpu.vector_load %arg7[%swap3A_616] {strides = array<i32>} : memref<256xf32, #tpu.memory_space<vmem>>, vector<16xf32>,
    tpu.vector_store %arg7[%swap3A_616], %add3A_615 {strides = array<i32>} : memref<256xf32, #tpu.memory_space<vmem>>, vector<16xf32>,
    "tpu.region"() ({
      %run_scoped3A = tpu.sem_alloc : memref<!tpu.dma_semaphore, #tpu.memory_space<semaphore_mem>>
      %dma_start3A = tpu.memref_slice %arg3[%mul3A_2] : memref<8192xf32, #tpu.memory_space<hbm>> -> memref<256xf32, #tpu.memory_space<hbm>>
      %dma_start3A_618 = tpu.memref_slice %arg3[%mul3A_2] : memref<8192xf32, #tpu.memory_space<hbm>> -> memref<256xf32, #tpu.memory_space<hbm>>
      tpu.enqueue_dma source(%arg6 : memref<256xf32, #tpu.memory_space<vmem>>) target(%dma_start3A_618 : memref<256xf32, #tpu.memory_space<hbm>>) target_semaphore(%run_scoped3A : memref<!tpu.dma_semaphore, #tpu.memory_space<semaphore_mem>>)
      %dma_wait3A = tpu.memref_slice %arg3[%mul3A_2] : memref<8192xf32, #tpu.memory_space<hbm>> -> memref<256xf32, #tpu.memory_space<hbm>>
      %dma_wait3A_619 = tpu.memref_slice %arg3[%mul3A_2] : memref<8192xf32, #tpu.memory_space<hbm>> -> memref<256xf32, #tpu.memory_space<hbm>>
      tpu.wait_dma2 semaphore(%run_scoped3A : memref<!tpu.dma_semaphore, #tpu.memory_space<semaphore_mem>>) src(%arg6 : memref<256xf32, #tpu.memory_space<vmem>>) dst(%dma_wait3A_619 : memref<256xf32, #tpu.memory_space<hbm>>)
      tpu.yield
    }) : () -> ()
    "tpu.region"() ({
      %run_scoped3A = tpu.sem_alloc : memref<!tpu.dma_semaphore, #tpu.memory_space<semaphore_mem>>
      %dma_start3A = tpu.memref_slice %arg4[%mul3A_2] : memref<8192xf32, #tpu.memory_space<hbm>> -> memref<256xf32, #tpu.memory_space<hbm>>
      %dma_start3A_618 = tpu.memref_slice %arg4[%mul3A_2] : memref<8192xf32, #tpu.memory_space<hbm>> -> memref<256xf32, #tpu.memory_space<hbm>>
      tpu.enqueue_dma source(%arg7 : memref<256xf32, #tpu.memory_space<vmem>>) target(%dma_start3A_618 : memref<256xf32, #tpu.memory_space<hbm>>) target_semaphore(%run_scoped3A : memref<!tpu.dma_semaphore, #tpu.memory_space<semaphore_mem>>)
      %dma_wait3A = tpu.memref_slice %arg4[%mul3A_2] : memref<8192xf32, #tpu.memory_space<hbm>> -> memref<256xf32, #tpu.memory_space<hbm>>
      %dma_wait3A_619 = tpu.memref_slice %arg4[%mul3A_2] : memref<8192xf32, #tpu.memory_space<hbm>> -> memref<256xf32, #tpu.memory_space<hbm>>
      tpu.wait_dma2 semaphore(%run_scoped3A : memref<!tpu.dma_semaphore, #tpu.memory_space<semaphore_mem>>) src(%arg7 : memref<256xf32, #tpu.memory_space<vmem>>) dst(%dma_wait3A_619 : memref<256xf32, #tpu.memory_space<hbm>>)
      tpu.yield
    }) : () -> ()
    return
  }
}

</mosaic_0001>

<sc_bundles>
// kernel: kernel.3.cloned.1.call-start
scs
__scs_entry_jumppad:
0x0: {  	(pc) =	sbr.rel $0x88, $3  }
0x1: {  	(tag) =	ssettag $0x0;
	lr =	simm.s32 $0x1  }
0x2: {  	[smem:$0x3FA0] =	sst lr;
	_ =	strace $0xD0000000  }
0x3: {  	_ = 	snop  }
0x4: {  	_ = 	snop  }
0x5: {  	_ = 	snop  }
0x6: {  	_ = 	snop  }
0x7: {  	_ = 	snop  }
__scs_overlays_trampoline_lowered:
0x8: {  	[smem:$0x3FAF] =	sst s0  }
0x9: {  	[smem:$0x3FB0] =	sst s1  }
0xa: {  	[smem:$0x3FB1] =	sst s2  }
0xb: {  	[smem:$0x3FB2] =	sst s3  }
0xc: {  	[smem:$0x3FB3] =	sst s4  }
0xd: {  	[smem:$0x3FB4] =	sst s5  }
0xe: {  	[smem:$0x3FB5] =	sst s6  }
0xf: {  	[smem:$0x3FB6] =	sst s7  }
0x10: {  	[smem:$0x3FB7] =	sst s8  }
0x11: {  	[smem:$0x3FB8] =	sst s9;
	s0 =	simm.s32 @!p0 $0x0  }
0x12: {  	s1 =	sld [smem:$0x3F9E];
	s0 =	simm.s32 @p0 $0x1  }
0x13: {  	[smem:$0x3FB9] =	sst s0;
	s0 =	simm.s32 @!p1 $0x0  }
0x14: {  	s2 =	sld [smem:$0x3F9D];
	s0 =	simm.s32 @p1 $0x1  }
0x15: {  	[smem:$0x3FBA] =	sst s0;
	s0 =	simm.s32 @!p2 $0x0  }
0x16: {  	s3 =	sld [smem:$0x3FDB];
	s0 =	simm.s32 @p2 $0x1  }
0x17: {  	s4 =	simm.s32 $0x1BF5;
	[smem:$0x3FBC] =	sst s0  }
0x18: {  	s0 =	sld [smem:$0x3F9F];
	_ =	swait.ge [sflag:s4], $0x0  }
0x19: {  	s7 =	sld [smem:$0x3FA0]  }
0x1a: {  	s8 =	sadd.s32 $0xFFFFE003, lr  }
0x1b: {  	s9 =	sadd.s32 $0xFFFFFEF7, lr;
	s5 =	simm.s32 $0xFFFFFFFF;
	p2 =	slt.u32 s8, $0xFFFFF086  }
0x1c: {  	p1 =	slt.u32 s9, $0xF7A;
	s5 =	simm.s32 @!p2 $0x0  }
0x1d: {  	s5 =	simm.s32 @p1 $0x1;
	p0 =	seq.s32 s7, s2  }
0x1e: {  	s7 =	smul.u32 @!p0 $0xF7A, s2;
	p2 =	seq.s32 @!p0 s5, $0x0  }
0x1f: {  	s9 =	smul.u32 $0xF7A, s1;
	s8 =	simm.s32 @!p0 $0x1BF5;
	p2 =	por !p2, p0  }
0x20: {  	[sflag:s8] =	ssyncset.s32 @!p0 $0xFFFFF086;
	s6 =	sadd.s32 @!p0 s3, s7;
	s7 =	simm.s32 @!p0 $0x108  }
0x21: {  	s3 =	sadd.s32 s3, s9;
	s6 =	sadd.s32 @!p0 $0x88, s6;
	s7 =	simm.s32 @p2 $0x1082  }
0x22: {  	[simem:s7], [sflag:s8] =	dma.local @!p0 [hbm:s6], $0xF7A  }
0x23: {  	s9 =	sor.u32 $0xD0000000, s2;
	s6 =	simm.s32 $0x108;
	_ =	swait.ge @!p0 [sflag:s8], $0x0  }
0x24: {  	s3 =	sadd.s32 $0x88, s3;
	s6 =	simm.s32 @!p1 $0x1082;
	[sflag:s4] =	ssyncset.s32 $0xFFFFF086  }
0x25: {  	[simem:s6], [sflag:s4] =	dma.local [hbm:s3], $0xF7A  }
0x26: {  	[smem:$0x3FA0] =	sst s1;
	(tag) =	ssettag s2;
	_ =	strace s9  }
0x27: {  	s1 =	sld [smem:$0x3FB0]  }
0x28: {  	s2 =	sld [smem:$0x3FB1]  }
0x29: {  	s4 =	sld [smem:$0x3FB3]  }
0x2a: {  	p0 =	seq.s32 s5, $0x0;
	s5 =	sld [smem:$0x3FB4]  }
0x2b: {  	s6 =	sld [smem:$0x3FB5]  }
0x2c: {  	s7 =	sld [smem:$0x3FB6]  }
0x2d: {  	s3 =	simm.s32 $0x108;
	s8 =	sld [smem:$0x3FB7]  }
0x2e: {  	s3 =	simm.s32 @!p0 $0x1082;
	s9 =	sld [smem:$0x3FB8]  }
0x2f: {  	lr =	sadd.s32 s0, s3;
	s0 =	sld [smem:$0x3FAF]  }
0x30: {  	s3 =	sld [smem:$0x3FB2]  }
0x31: {  	[smem:$0x3FBB] =	sst s10  }
0x32: {  	s10 =	sld [smem:$0x3FB9];
	_ =	sdelay $0x3  }
0x33: {  	p0 =	seq.s32 s10, $0x1;
	s10 =	sld [smem:$0x3FBB];
	_ =	sdelay $0x3  }
0x34: {  	[smem:$0x3FBB] =	sst s10  }
0x35: {  	s10 =	sld [smem:$0x3FBA];
	_ =	sdelay $0x3  }
0x36: {  	p1 =	seq.s32 s10, $0x1;
	s10 =	sld [smem:$0x3FBB];
	_ =	sdelay $0x3  }
0x37: {  	[smem:$0x3FBB] =	sst s10  }
0x38: {  	s10 =	sld [smem:$0x3FBC]  }
0x39: {  	_ = 	snop;
	(pc) =	sbr.ind lr, $3  }
0x3a: {  	_ = 	snop  }
0x3b: {  	_ = 	snop  }
0x3c: {  	p2 =	seq.s32 s10, $0x1;
	s10 =	sld [smem:$0x3FBB]  }
0x3d: {  	_ =	shalt  }
0x3e: {  	_ =	shalt  }
0x3f: {  	_ =	shalt  }
0x40: {  	_ =	shalt  }
0x41: {  	_ =	shalt  }
0x42: {  	_ =	shalt  }
0x43: {  	_ =	shalt  }
0x44: {  	_ =	shalt  }
0x45: {  	_ =	shalt  }
0x46: {  	_ =	shalt  }
0x47: {  	_ =	shalt  }
0x48: {  	_ =	shalt  }
0x49: {  	_ =	shalt  }
0x4a: {  	_ =	shalt  }
0x4b: {  	_ =	shalt  }
0x4c: {  	_ =	shalt  }
0x4d: {  	_ =	shalt  }
0x4e: {  	_ =	shalt  }
0x4f: {  	_ =	shalt  }
0x50: {  	_ =	shalt  }
0x51: {  	_ =	shalt  }
0x52: {  	_ =	shalt  }
0x53: {  	_ =	shalt  }
0x54: {  	_ =	shalt  }
0x55: {  	_ =	shalt  }
0x56: {  	_ =	shalt  }
0x57: {  	_ =	shalt  }
0x58: {  	_ =	shalt  }
0x59: {  	_ =	shalt  }
0x5a: {  	_ =	shalt  }
0x5b: {  	_ =	shalt  }
0x5c: {  	_ =	shalt  }
0x5d: {  	_ =	shalt  }
0x5e: {  	_ =	shalt  }
0x5f: {  	_ =	shalt  }
0x60: {  	_ =	shalt  }
0x61: {  	_ =	shalt  }
0x62: {  	_ =	shalt  }
0x63: {  	_ =	shalt  }
0x64: {  	_ =	shalt  }
0x65: {  	_ =	shalt  }
0x66: {  	_ =	shalt  }
0x67: {  	_ =	shalt  }
0x68: {  	_ =	shalt  }
0x69: {  	_ =	shalt  }
0x6a: {  	_ =	shalt  }
0x6b: {  	_ =	shalt  }
0x6c: {  	_ =	shalt  }
0x6d: {  	_ =	shalt  }
0x6e: {  	_ =	shalt  }
0x6f: {  	_ =	shalt  }
0x70: {  	_ =	shalt  }
0x71: {  	_ =	shalt  }
0x72: {  	_ =	shalt  }
0x73: {  	_ =	shalt  }
0x74: {  	_ =	shalt  }
0x75: {  	_ =	shalt  }
0x76: {  	_ =	shalt  }
0x77: {  	_ =	shalt  }
0x78: {  	_ =	shalt  }
0x79: {  	_ =	shalt  }
0x7a: {  	_ =	shalt  }
0x7b: {  	_ =	shalt  }
0x7c: {  	_ =	shalt  }
0x7d: {  	_ =	shalt  }
0x7e: {  	_ =	shalt  }
0x7f: {  	_ =	shalt  }
0x80: {  	_ =	shalt  }
0x81: {  	_ =	shalt  }
0x82: {  	_ =	shalt  }
0x83: {  	_ =	shalt  }
0x84: {  	_ =	shalt  }
0x85: {  	_ =	shalt  }
0x86: {  	_ =	shalt  }
0x87: {  	_ =	shalt  }
.Lfunc_end0:
.L_simem_size_0:
called_computation_lowered:
.L_overlay_start_0:
0x88: {  	s2 =	sld [smem:$0x3FD9]  }
0x89: {  	s3 =	sld [smem:$0x3FFE];
	_ =	sdelay $0x1  }
0x8a: {  	s1 =	srdreg.scid  }
0x8b: {  	s0 =	sand.u32 $0x1, s1  }
0x8c: {  	s14 =	sshll.u32 s0, $0xA;
	s2 =	sadd.s32 s3, s2  }
0x8d: {  	s2 =	sadd.s32 s2, s14  }
0x8e: {  	[smem:$0x3FC7] =	sst s2  }
0x8f: {  	_ = 	snop  }
0x90: {  	s2 =	sld [smem:$0x3FD0];
	_ =	sdelay $0x2  }
0x91: {  	s15 =	simm.s32 $0xA;
	s4 =	simm.s32 $0x10  }
0x92: {  	[smem:s4], [sflag:s15] =	dma.local [hbm:s2], $0x1  }
0x93: {  	_ =	swait.eq [sflag:s15], $0x1  }
0x94: {  	[sflag:s15] =	ssyncset.done $0x0  }
0x95: {  	s16 =	sld [smem:$0x10];
	[sflag:s15] =	ssyncadd.s32 $0xFFFFFFFF  }
0x96: {  	s17 =	sld [smem:$0x11];
	(tm) =	ssettm $0x1  }
0x97: {  	s18 =	sld [smem:$0x3FFB];
	_ =	sdelay $0x3  }
0x98: {  	_ =	strace s18  }
0x99: {  	s4 =	sld [smem:$0x3FFC];
	_ =	sdelay $0x3  }
0x9a: {  	_ =	strace s4  }
0x9b: {  	s4 =	sld [smem:$0x3FFD];
	_ =	sdelay $0x3  }
0x9c: {  	_ =	strace s4  }
0x9d: {  	_ =	strace $0x8FFFFFFF  }
0x9e: {  	s19 =	sld [smem:$0x3FDB];
	_ =	sdelay $0x1  }
0x9f: {  	s5 =	simm.s32 $_scs_section_size  }
0xa0: {  	s6 =	simm.s32 $_size__tile_overlayer_lowered;
	s7 =	simm.s32 $_tile_overlayer_lowered  }
0xa1: {  	s22 =	simm.s32 $0x1BFF;
	s21 =	sshll.u32 s7, $0x1;
	s4 =	sadd.s32 s5, s19  }
0xa2: {  	s8 =	simm.s32 $0x0;
	s20 =	sshll.u32 s6, $0x1;
	s6 =	sadd.s32 s21, s4  }
0xa3: {  	[timem:s8], [sflag:s22] =	dma.local [hbm:s6], s20  }
0xa4: {  	_ =	swait.ge [sflag:s22], s20  }
0xa5: {  	s5 =	ssub.s32 $0x0, s20;
	[sflag:s22] =	ssyncset.done $0x0  }
0xa6: {  	[sflag:s22] =	ssyncadd.s32 s5;
	_ =	sdelay $0x1  }
0xa7: {  	s23 =	simm.s32 $0x1B8B  }
0xa8: {  	_ =	swait.ge [sflag:s23], $0x1  }
0xa9: {  	[sflag:s23] =	ssyncset.done $0x0  }
0xaa: {  	s25 =	simm.s32 $0x1B8E;
	s24 =	sld [smem:$0x3FFE];
	[sflag:s23] =	ssyncadd.s32 $0xFFFFFFFF  }
0xab: {  	s26 =	simm.s32 $execute0_lowered;
	[smem:$0x3FD2] =	sst s25  }
0xac: {  	s6 =	sshll.u32 s26, $0x1;
	_ =	strace $0x80000046;
	[dreg:$0x1] =	wrdreg $0xFFFFFFFF  }
0xad: {  	s28 =	simm.s32 $_size_execute0_lowered;
	s4 =	sadd.s32 s4, s6;
	[dreg:$0x0] =	wrdreg $0x0  }
0xae: {  	s6 =	sshll.u32 s28, $0x1;
	[dreg:$0x2] =	wrdreg s4  }
0xaf: {  	[dreg:$0x3] =	wrdreg s6  }
0xb0: {  	[dreg:$0x4] =	wrdreg $0xC0  }
0xb1: {  	_ =	task [dreg:s8], $0x5FFFF  }
0xb2: {  	[dreg:$0x1] =	wrdreg $0xFFFFFFFF  }
0xb3: {  	[dreg:$0x0] =	wrdreg $0x60  }
0xb4: {  	[dreg:$0x2] =	wrdreg s24  }
0xb5: {  	[dreg:$0x3] =	wrdreg s16  }
0xb6: {  	[dreg:$0x4] =	wrdreg s17  }
0xb7: {  	[dreg:$0x5] =	wrdreg $0x9  }
0xb8: {  	_ =	task.clear_ibuf [dreg:s8], $0x6FFFF;
	_ =	strace $0x90000046  }
0xb9: {  	s29 =	simm.s32 $0x9;
	_ =	strace $0x80000048  }
0xba: {  	_ =	swait.ge [sflag:s29], $0x1  }
0xbb: {  	[sflag:s29] =	ssyncadd.s32 $0xFFFFFFFF  }
0xbc: {  	_ =	strace $0x90000048  }
0xbd: {  	_ =	sfence  }
0xbe: {  	s30 =	sld [smem:$0x0];
	_ =	sdelay $0x2  }
0xbf: {  	s31 =	sshll.u32 s1, $0xD;
	s1 =	sshrl.u32 s1, $0x2  }
0xc0: {  	s3 =	sand.u32 $0x4000, s31;
	s1 =	sadd.s32 s1, s30  }
0xc1: {  	s0 =	sor.u32 s3, s0;
	s1 =	sshll.u32 s1, $0x11  }
0xc2: {  	s0 =	sor.u32 s1, s0  }
0xc3: {  	s0 =	sadd.s32 $0x8F2B, s0  }
0xc4: {  	[sflag:s0] =	ssyncadd.remote.s32 $0x1  }
0xc5: {  	_ =	sfence.sel $0xFFFF  }
0xc6: {  	[dreg:$0x0] =	wrdreg $0xFFFFFFFF;
	(pc) =	sbr.abs _section_cstart, $3  }
0xc7: {  	[dreg:$0x1] =	wrdreg $0xFFFFFFFF  }
0xc8: {  	_ =	task.clear_ibuf [dreg:s8], $0x2FFFF;
	_ =	strace $0x9FFFFFFF  }
0xc9: {  	(tm) =	ssettm $0x7FFFFFFF  }
tec
execute0_lowered:
.L_overlay_start_1:
0x0: {  	(tag) =	ssettag $0x1  }
0x1: {  	v0 =	vlaneseq.u32  }
0x2: {  	v0 =	vmul.u32 $0x2, v0;
	_ =	sdelay $0x1  }
0x3: {  	v2 =	vimm.f32 $0.0e+00;
	v3 =	vimm.f32 $1.000000000e+00;
	v1 =	vor.u32 $0x1, v0  }
0x4: {  	s3 =	rddreg [dreg:$0x0];
	v4 =	vor.u32 $0x20, v0;
	v5 =	vor.u32 $0x21, v0;
	v6 =	vor.u32 $0x40, v0  }
0x5: {  	s4 =	rddreg [dreg:$0x1];
	v7 =	vor.u32 $0x41, v0;
	v8 =	vor.u32 $0x60, v0;
	v9 =	vor.u32 $0x61, v0  }
0x6: {  	s1 =	srdreg.scid;
	s0 =	stileid.u32;
	v10 =	vor.u32 $0x80, v0;
	v11 =	vor.u32 $0x81, v0;
	v12 =	vor.u32 $0xA0, v0  }
0x7: {  	s5 =	rddreg [dreg:$0x2];
	s2 =	simm.s32 $0x0;
	s9 =	simm.s32 $0x300;
	v13 =	vor.u32 $0xA1, v0;
	v14 =	vor.u32 $0xC0, v0;
	v15 =	vor.u32 $0xC1, v0  }
0x8: {  	s6 =	sand.u32 $0x1, s1;
	s7 =	sshll.u32 s0, $0x1;
	s1 =	rddreg [dreg:$0x3];
	v16 =	vor.u32 $0xE0, v0;
	v17 =	vor.u32 $0xE1, v0;
	v18 =	vor.u32 $0x100, v0  }
0x9: {  	[smem:$0x7FF] =	sst s2;
	s7 =	sor.u32 s6, s7;
	s6 =	ssub.s32 $0x2, s6;
	v19 =	vor.u32 $0x101, v0;
	v20 =	vor.u32 $0x120, v0;
	v21 =	vor.u32 $0x121, v0  }
0xa: {  	_ =	strace $0x80000047;
	s8 =	sshll.u32 s7, $0x6;
	s31 =	sshrl.u32 s6, $0x1;
	v22 =	vor.u32 $0x140, v0;
	v23 =	vor.u32 $0x141, v0;
	v24 =	vor.u32 $0x160, v0  }
0xb: {  	s7 =	sshll.u32 s7, $0x5;
	v25 =	vor.u32 $0x161, v0;
	v26 =	vor.u32 $0x180, v0;
	v27 =	vor.u32 $0x181, v0;
	s3 =	sadd.s32 s8, s3;
	s6 =	ssub.s32 s6, s31  }
0xc: {  	v28 =	vor.u32 $0x1A0, v0;
	v29 =	vor.u32 $0x1A1, v0;
	v30 =	vor.u32 $0x1C0, v0;
	s4 =	sadd.s32 s4, s7;
	s5 =	sadd.s32 s5, s7;
	s7 =	simm.s32 $0x1  }
0xd: {  	v31 =	vor.u32 $0x1C1, v0;
	v32 =	vor.u32 $0x1E0, v0;
	v33 =	vor.u32 $0x1E1, v0;
	s8 =	simm.s32 $0x200;
	s3 =	sadd.s32 $0x600, s3;
	s6 =	smax.u32 s6, $0x1  }
.LBB2_1:
0xe: {  	[tilespmem:s2], [sflag:$0x1] =	stream.linear.gather [hbm4b:s3+s2], $0x200, $0x38;
	[tilespmem:$0x400] =	vst v63  }
0xf: {  	_ =	swait.ge [sflag:s7], $0x200  }
0x10: {  	[sflag:s7] =	ssyncset.done $0x0  }
0x11: {  	[sflag:s7] =	ssyncadd.s32 $0xFFFFFE00  }
0x12: {  	v34 =	vld.idx.msk [tilespmem:v0+s2+$0x0], $0xffff  }
0x13: {  	v35 =	vld.idx.msk [tilespmem:v1+s2+$0x0], $0xffff;
	_ =	sdelay $0x4  }
0x14: {  	v36 =	vmax.f32 v34, v35  }
0x15: {  	v37 =	vsub.f32 v34, v36  }
0x16: {  	v36 =	vsub.f32 v35, v36  }
0x17: {  	v37 =	vmul.f32 $1.442695020e+00, v37  }
0x18: {  	v36 =	vmul.f32 $1.442695020e+00, v36  }
0x19: {  	(erf) = vpow2.f32 v37  }
0x1a: {  	(erf) = vpow2.f32 v36;
	_ =	sdelay $0x7  }
0x1b: {  	v51 =	vpop (erf)  }
0x1c: {  	v52 =	vpop (erf)  }
0x1d: {  	v38 =	vadd.f32 v52, v51;
	_ =	sdelay $0x1  }
0x1e: {  	(erf) = vrcp.f32 v38;
	_ =	sdelay $0x8  }
0x1f: {  	v38 =	vpop (erf)  }
0x20: {  	vm0 =	vge.f32 v34, v35;
	v36 =	vmul.f32 v38, v51  }
0x21: {  	v35 =	vsel vm0, $0x3F800000, v2;
	v53 =	vmul.f32 v38, v52  }
0x22: {  	v54 =	vsel vm0, $0x0, v3;
	v35 =	vsub.f32 v35, v36  }
0x23: {  	v37 =	vsub.f32 v54, v53  }
0x24: {  	v35 =	vadd.f32 v35, v36  }
0x25: {  	v34 =	vadd.f32 v37, v53  }
0x26: {  	[tilespmem:$0x200] =	vst v35  }
0x27: {  	[tilespmem:$0x300] =	vst v34  }
0x28: {  	v34 =	vld.idx.msk [tilespmem:v4+s2+$0x0], $0xffff  }
0x29: {  	v35 =	vld.idx.msk [tilespmem:v5+s2+$0x0], $0xffff;
	_ =	sdelay $0x4  }
0x2a: {  	v55 =	vmax.f32 v34, v35  }
0x2b: {  	v56 =	vsub.f32 v34, v55  }
0x2c: {  	v36 =	vsub.f32 v35, v55  }
0x2d: {  	v37 =	vmul.f32 $1.442695020e+00, v56  }
0x2e: {  	v36 =	vmul.f32 $1.442695020e+00, v36  }
0x2f: {  	(erf) = vpow2.f32 v37  }
0x30: {  	(erf) = vpow2.f32 v36;
	_ =	sdelay $0x7  }
0x31: {  	v57 =	vpop (erf)  }
0x32: {  	v58 =	vpop (erf)  }
0x33: {  	v59 =	vadd.f32 v58, v57;
	_ =	sdelay $0x1  }
0x34: {  	(erf) = vrcp.f32 v59;
	_ =	sdelay $0x8  }
0x35: {  	v38 =	vpop (erf)  }
0x36: {  	vm13 =	vge.f32 v34, v35;
	v36 =	vmul.f32 v38, v57  }
0x37: {  	v35 =	vsel vm13, $0x3F800000, v2;
	v60 =	vmul.f32 v38, v58  }
0x38: {  	v61 =	vsel vm13, $0x0, v3;
	v35 =	vsub.f32 v35, v36  }
0x39: {  	v37 =	vsub.f32 v61, v60  }
0x3a: {  	v35 =	vadd.f32 v35, v36  }
0x3b: {  	v34 =	vadd.f32 v37, v60  }
0x3c: {  	[tilespmem:$0x210] =	vst v35  }
0x3d: {  	[tilespmem:$0x310] =	vst v34  }
0x3e: {  	v34 =	vld.idx.msk [tilespmem:v6+s2+$0x0], $0xffff  }
0x3f: {  	v35 =	vld.idx.msk [tilespmem:v7+s2+$0x0], $0xffff;
	_ =	sdelay $0x4  }
0x40: {  	v62 =	vmax.f32 v34, v35  }
0x41: {  	v63 =	vsub.f32 v34, v62  }
0x42: {  	v36 =	vsub.f32 v35, v62  }
0x43: {  	v37 =	vmul.f32 $1.442695020e+00, v63  }
0x44: {  	v36 =	vmul.f32 $1.442695020e+00, v36  }
0x45: {  	(erf) = vpow2.f32 v37  }
0x46: {  	(erf) = vpow2.f32 v36;
	_ =	sdelay $0x7  }
0x47: {  	v40 =	vpop (erf)  }
0x48: {  	v41 =	vpop (erf)  }
0x49: {  	v42 =	vadd.f32 v41, v40;
	_ =	sdelay $0x1  }
0x4a: {  	(erf) = vrcp.f32 v42;
	_ =	sdelay $0x8  }
0x4b: {  	v38 =	vpop (erf)  }
0x4c: {  	vm14 =	vge.f32 v34, v35;
	v36 =	vmul.f32 v38, v40  }
0x4d: {  	v35 =	vsel vm14, $0x3F800000, v2;
	v43 =	vmul.f32 v38, v41  }
0x4e: {  	v44 =	vsel vm14, $0x0, v3;
	v35 =	vsub.f32 v35, v36  }
0x4f: {  	v37 =	vsub.f32 v44, v43  }
0x50: {  	v35 =	vadd.f32 v35, v36  }
0x51: {  	v34 =	vadd.f32 v37, v43  }
0x52: {  	[tilespmem:$0x220] =	vst v35  }
0x53: {  	[tilespmem:$0x320] =	vst v34  }
0x54: {  	v34 =	vld.idx.msk [tilespmem:v8+s2+$0x0], $0xffff  }
0x55: {  	v35 =	vld.idx.msk [tilespmem:v9+s2+$0x0], $0xffff;
	_ =	sdelay $0x4  }
0x56: {  	v45 =	vmax.f32 v34, v35  }
0x57: {  	v46 =	vsub.f32 v34, v45  }
0x58: {  	v36 =	vsub.f32 v35, v45  }
0x59: {  	v37 =	vmul.f32 $1.442695020e+00, v46  }
0x5a: {  	v36 =	vmul.f32 $1.442695020e+00, v36  }
0x5b: {  	(erf) = vpow2.f32 v37  }
0x5c: {  	(erf) = vpow2.f32 v36;
	_ =	sdelay $0x7  }
0x5d: {  	v47 =	vpop (erf)  }
0x5e: {  	v48 =	vpop (erf)  }
0x5f: {  	v49 =	vadd.f32 v48, v47;
	_ =	sdelay $0x1  }
0x60: {  	(erf) = vrcp.f32 v49;
	_ =	sdelay $0x8  }
0x61: {  	v38 =	vpop (erf)  }
0x62: {  	vm15 =	vge.f32 v34, v35;
	v36 =	vmul.f32 v38, v47  }
0x63: {  	v35 =	vsel vm15, $0x3F800000, v2;
	v50 =	vmul.f32 v38, v48  }
0x64: {  	v51 =	vsel vm15, $0x0, v3;
	v35 =	vsub.f32 v35, v36  }
0x65: {  	v37 =	vsub.f32 v51, v50  }
0x66: {  	v35 =	vadd.f32 v35, v36  }
0x67: {  	v34 =	vadd.f32 v37, v50  }
0x68: {  	[tilespmem:$0x230] =	vst v35  }
0x69: {  	[tilespmem:$0x330] =	vst v34  }
0x6a: {  	v34 =	vld.idx.msk [tilespmem:v10+s2+$0x0], $0xffff  }
0x6b: {  	v35 =	vld.idx.msk [tilespmem:v11+s2+$0x0], $0xffff;
	_ =	sdelay $0x4  }
0x6c: {  	v52 =	vmax.f32 v34, v35  }
0x6d: {  	v53 =	vsub.f32 v34, v52  }
0x6e: {  	v36 =	vsub.f32 v35, v52  }
0x6f: {  	v37 =	vmul.f32 $1.442695020e+00, v53  }
0x70: {  	v36 =	vmul.f32 $1.442695020e+00, v36  }
0x71: {  	(erf) = vpow2.f32 v37  }
0x72: {  	(erf) = vpow2.f32 v36;
	_ =	sdelay $0x7  }
0x73: {  	v54 =	vpop (erf)  }
0x74: {  	v55 =	vpop (erf)  }
0x75: {  	v56 =	vadd.f32 v55, v54;
	_ =	sdelay $0x1  }
0x76: {  	(erf) = vrcp.f32 v56;
	_ =	sdelay $0x8  }
0x77: {  	v38 =	vpop (erf)  }
0x78: {  	vm4 =	vge.f32 v34, v35;
	v36 =	vmul.f32 v38, v54  }
0x79: {  	v35 =	vsel vm4, $0x3F800000, v2;
	v57 =	vmul.f32 v38, v55  }
0x7a: {  	v58 =	vsel vm4, $0x0, v3;
	v35 =	vsub.f32 v35, v36  }
0x7b: {  	v37 =	vsub.f32 v58, v57  }
0x7c: {  	v35 =	vadd.f32 v35, v36  }
0x7d: {  	v34 =	vadd.f32 v37, v57  }
0x7e: {  	[tilespmem:$0x240] =	vst v35  }
0x7f: {  	[tilespmem:$0x340] =	vst v34  }
0x80: {  	v34 =	vld.idx.msk [tilespmem:v12+s2+$0x0], $0xffff  }
0x81: {  	v35 =	vld.idx.msk [tilespmem:v13+s2+$0x0], $0xffff;
	_ =	sdelay $0x4  }
0x82: {  	v59 =	vmax.f32 v34, v35  }
0x83: {  	v60 =	vsub.f32 v34, v59  }
0x84: {  	v36 =	vsub.f32 v35, v59  }
0x85: {  	v37 =	vmul.f32 $1.442695020e+00, v60  }
0x86: {  	v36 =	vmul.f32 $1.442695020e+00, v36  }
0x87: {  	(erf) = vpow2.f32 v37  }
0x88: {  	(erf) = vpow2.f32 v36;
	_ =	sdelay $0x7  }
0x89: {  	v61 =	vpop (erf)  }
0x8a: {  	v62 =	vpop (erf)  }
0x8b: {  	v63 =	vadd.f32 v62, v61;
	_ =	sdelay $0x1  }
0x8c: {  	(erf) = vrcp.f32 v63;
	_ =	sdelay $0x8  }
0x8d: {  	v38 =	vpop (erf)  }
0x8e: {  	vm5 =	vge.f32 v34, v35;
	v36 =	vmul.f32 v38, v61  }
0x8f: {  	v35 =	vsel vm5, $0x3F800000, v2;
	v40 =	vmul.f32 v38, v62  }
0x90: {  	v41 =	vsel vm5, $0x0, v3;
	v35 =	vsub.f32 v35, v36  }
0x91: {  	v37 =	vsub.f32 v41, v40  }
0x92: {  	v35 =	vadd.f32 v35, v36  }
0x93: {  	v34 =	vadd.f32 v37, v40  }
0x94: {  	[tilespmem:$0x250] =	vst v35  }
0x95: {  	[tilespmem:$0x350] =	vst v34  }
0x96: {  	v34 =	vld.idx.msk [tilespmem:v14+s2+$0x0], $0xffff  }
0x97: {  	v35 =	vld.idx.msk [tilespmem:v15+s2+$0x0], $0xffff;
	_ =	sdelay $0x4  }
0x98: {  	v42 =	vmax.f32 v34, v35  }
0x99: {  	v43 =	vsub.f32 v34, v42  }
0x9a: {  	v36 =	vsub.f32 v35, v42  }
0x9b: {  	v37 =	vmul.f32 $1.442695020e+00, v43  }
0x9c: {  	v36 =	vmul.f32 $1.442695020e+00, v36  }
0x9d: {  	(erf) = vpow2.f32 v37  }
0x9e: {  	(erf) = vpow2.f32 v36;
	_ =	sdelay $0x7  }
0x9f: {  	v44 =	vpop (erf)  }
0xa0: {  	v45 =	vpop (erf)  }
0xa1: {  	v46 =	vadd.f32 v45, v44;
	_ =	sdelay $0x1  }
0xa2: {  	(erf) = vrcp.f32 v46;
	_ =	sdelay $0x8  }
0xa3: {  	v38 =	vpop (erf)  }
0xa4: {  	vm6 =	vge.f32 v34, v35;
	v36 =	vmul.f32 v38, v44  }
0xa5: {  	v35 =	vsel vm6, $0x3F800000, v2;
	v47 =	vmul.f32 v38, v45  }
0xa6: {  	v48 =	vsel vm6, $0x0, v3;
	v35 =	vsub.f32 v35, v36  }
0xa7: {  	v37 =	vsub.f32 v48, v47  }
0xa8: {  	v35 =	vadd.f32 v35, v36  }
0xa9: {  	v34 =	vadd.f32 v37, v47  }
0xaa: {  	[tilespmem:$0x260] =	vst v35  }
0xab: {  	[tilespmem:$0x360] =	vst v34  }
0xac: {  	v34 =	vld.idx.msk [tilespmem:v16+s2+$0x0], $0xffff  }
0xad: {  	v35 =	vld.idx.msk [tilespmem:v17+s2+$0x0], $0xffff;
	_ =	sdelay $0x4  }
0xae: {  	v49 =	vmax.f32 v34, v35  }
0xaf: {  	v50 =	vsub.f32 v34, v49  }
0xb0: {  	v36 =	vsub.f32 v35, v49  }
0xb1: {  	v37 =	vmul.f32 $1.442695020e+00, v50  }
0xb2: {  	v36 =	vmul.f32 $1.442695020e+00, v36  }
0xb3: {  	(erf) = vpow2.f32 v37  }
0xb4: {  	(erf) = vpow2.f32 v36;
	_ =	sdelay $0x7  }
0xb5: {  	v51 =	vpop (erf)  }
0xb6: {  	v52 =	vpop (erf)  }
0xb7: {  	v53 =	vadd.f32 v52, v51;
	_ =	sdelay $0x1  }
0xb8: {  	(erf) = vrcp.f32 v53;
	_ =	sdelay $0x8  }
0xb9: {  	v38 =	vpop (erf)  }
0xba: {  	vm7 =	vge.f32 v34, v35;
	v36 =	vmul.f32 v38, v51  }
0xbb: {  	v35 =	vsel vm7, $0x3F800000, v2;
	v54 =	vmul.f32 v38, v52  }
0xbc: {  	v55 =	vsel vm7, $0x0, v3;
	v35 =	vsub.f32 v35, v36  }
0xbd: {  	v37 =	vsub.f32 v55, v54  }
0xbe: {  	v35 =	vadd.f32 v35, v36  }
0xbf: {  	v34 =	vadd.f32 v37, v54  }
0xc0: {  	[tilespmem:$0x270] =	vst v35  }
0xc1: {  	[tilespmem:$0x370] =	vst v34  }
0xc2: {  	v34 =	vld.idx.msk [tilespmem:v18+s2+$0x0], $0xffff  }
0xc3: {  	v35 =	vld.idx.msk [tilespmem:v19+s2+$0x0], $0xffff;
	_ =	sdelay $0x4  }
0xc4: {  	v56 =	vmax.f32 v34, v35  }
0xc5: {  	v57 =	vsub.f32 v34, v56  }
0xc6: {  	v36 =	vsub.f32 v35, v56  }
0xc7: {  	v37 =	vmul.f32 $1.442695020e+00, v57  }
0xc8: {  	v36 =	vmul.f32 $1.442695020e+00, v36  }
0xc9: {  	(erf) = vpow2.f32 v37  }
0xca: {  	(erf) = vpow2.f32 v36;
	_ =	sdelay $0x7  }
0xcb: {  	v58 =	vpop (erf)  }
0xcc: {  	v59 =	vpop (erf)  }
0xcd: {  	v60 =	vadd.f32 v59, v58;
	_ =	sdelay $0x1  }
0xce: {  	(erf) = vrcp.f32 v60;
	_ =	sdelay $0x8  }
0xcf: {  	v38 =	vpop (erf)  }
0xd0: {  	vm8 =	vge.f32 v34, v35;
	v36 =	vmul.f32 v38, v58  }
0xd1: {  	v35 =	vsel vm8, $0x3F800000, v2;
	v61 =	vmul.f32 v38, v59  }
0xd2: {  	v62 =	vsel vm8, $0x0, v3;
	v35 =	vsub.f32 v35, v36  }
0xd3: {  	v37 =	vsub.f32 v62, v61  }
0xd4: {  	v35 =	vadd.f32 v35, v36  }
0xd5: {  	v34 =	vadd.f32 v37, v61  }
0xd6: {  	[tilespmem:$0x280] =	vst v35  }
0xd7: {  	[tilespmem:$0x380] =	vst v34  }
0xd8: {  	v34 =	vld.idx.msk [tilespmem:v20+s2+$0x0], $0xffff  }
0xd9: {  	v35 =	vld.idx.msk [tilespmem:v21+s2+$0x0], $0xffff;
	_ =	sdelay $0x4  }
0xda: {  	v63 =	vmax.f32 v34, v35  }
0xdb: {  	v40 =	vsub.f32 v34, v63  }
0xdc: {  	v36 =	vsub.f32 v35, v63  }
0xdd: {  	v37 =	vmul.f32 $1.442695020e+00, v40  }
0xde: {  	v36 =	vmul.f32 $1.442695020e+00, v36  }
0xdf: {  	(erf) = vpow2.f32 v37  }
0xe0: {  	(erf) = vpow2.f32 v36;
	_ =	sdelay $0x7  }
0xe1: {  	v41 =	vpop (erf)  }
0xe2: {  	v42 =	vpop (erf)  }
0xe3: {  	v43 =	vadd.f32 v42, v41;
	_ =	sdelay $0x1  }
0xe4: {  	(erf) = vrcp.f32 v43;
	_ =	sdelay $0x8  }
0xe5: {  	v38 =	vpop (erf)  }
0xe6: {  	vm9 =	vge.f32 v34, v35;
	v36 =	vmul.f32 v38, v41  }
0xe7: {  	v35 =	vsel vm9, $0x3F800000, v2;
	v44 =	vmul.f32 v38, v42  }
0xe8: {  	v45 =	vsel vm9, $0x0, v3;
	v35 =	vsub.f32 v35, v36  }
0xe9: {  	v37 =	vsub.f32 v45, v44  }
0xea: {  	v35 =	vadd.f32 v35, v36  }
0xeb: {  	v34 =	vadd.f32 v37, v44  }
0xec: {  	[tilespmem:$0x290] =	vst v35  }
0xed: {  	[tilespmem:$0x390] =	vst v34  }
0xee: {  	v34 =	vld.idx.msk [tilespmem:v22+s2+$0x0], $0xffff  }
0xef: {  	v35 =	vld.idx.msk [tilespmem:v23+s2+$0x0], $0xffff;
	_ =	sdelay $0x4  }
0xf0: {  	v46 =	vmax.f32 v34, v35  }
0xf1: {  	v47 =	vsub.f32 v34, v46  }
0xf2: {  	v36 =	vsub.f32 v35, v46  }
0xf3: {  	v37 =	vmul.f32 $1.442695020e+00, v47  }
0xf4: {  	v36 =	vmul.f32 $1.442695020e+00, v36  }
0xf5: {  	(erf) = vpow2.f32 v37  }
0xf6: {  	(erf) = vpow2.f32 v36;
	_ =	sdelay $0x7  }
0xf7: {  	v48 =	vpop (erf)  }
0xf8: {  	v49 =	vpop (erf)  }
0xf9: {  	v50 =	vadd.f32 v49, v48;
	_ =	sdelay $0x1  }
0xfa: {  	(erf) = vrcp.f32 v50;
	_ =	sdelay $0x8  }
0xfb: {  	v38 =	vpop (erf)  }
0xfc: {  	vm10 =	vge.f32 v34, v35;
	v36 =	vmul.f32 v38, v48  }
0xfd: {  	v35 =	vsel vm10, $0x3F800000, v2;
	v51 =	vmul.f32 v38, v49  }
0xfe: {  	v52 =	vsel vm10, $0x0, v3;
	v35 =	vsub.f32 v35, v36  }
0xff: {  	v37 =	vsub.f32 v52, v51  }
0x100: {  	v35 =	vadd.f32 v35, v36  }
0x101: {  	v34 =	vadd.f32 v37, v51  }
0x102: {  	[tilespmem:$0x2A0] =	vst v35  }
0x103: {  	[tilespmem:$0x3A0] =	vst v34  }
0x104: {  	v34 =	vld.idx.msk [tilespmem:v24+s2+$0x0], $0xffff  }
0x105: {  	v35 =	vld.idx.msk [tilespmem:v25+s2+$0x0], $0xffff;
	_ =	sdelay $0x4  }
0x106: {  	v53 =	vmax.f32 v34, v35  }
0x107: {  	v54 =	vsub.f32 v34, v53  }
0x108: {  	v36 =	vsub.f32 v35, v53  }
0x109: {  	v37 =	vmul.f32 $1.442695020e+00, v54  }
0x10a: {  	v36 =	vmul.f32 $1.442695020e+00, v36  }
0x10b: {  	(erf) = vpow2.f32 v37  }
0x10c: {  	(erf) = vpow2.f32 v36;
	_ =	sdelay $0x7  }
0x10d: {  	v55 =	vpop (erf)  }
0x10e: {  	v56 =	vpop (erf)  }
0x10f: {  	v57 =	vadd.f32 v56, v55;
	_ =	sdelay $0x1  }
0x110: {  	(erf) = vrcp.f32 v57;
	_ =	sdelay $0x8  }
0x111: {  	v38 =	vpop (erf)  }
0x112: {  	vm11 =	vge.f32 v34, v35;
	v36 =	vmul.f32 v38, v55  }
0x113: {  	v35 =	vsel vm11, $0x3F800000, v2;
	v58 =	vmul.f32 v38, v56  }
0x114: {  	v59 =	vsel vm11, $0x0, v3;
	v35 =	vsub.f32 v35, v36  }
0x115: {  	v37 =	vsub.f32 v59, v58  }
0x116: {  	v35 =	vadd.f32 v35, v36  }
0x117: {  	v34 =	vadd.f32 v37, v58  }
0x118: {  	[tilespmem:$0x2B0] =	vst v35  }
0x119: {  	[tilespmem:$0x3B0] =	vst v34  }
0x11a: {  	v34 =	vld.idx.msk [tilespmem:v26+s2+$0x0], $0xffff  }
0x11b: {  	v35 =	vld.idx.msk [tilespmem:v27+s2+$0x0], $0xffff;
	_ =	sdelay $0x4  }
0x11c: {  	v60 =	vmax.f32 v34, v35  }
0x11d: {  	v61 =	vsub.f32 v34, v60  }
0x11e: {  	v36 =	vsub.f32 v35, v60  }
0x11f: {  	v37 =	vmul.f32 $1.442695020e+00, v61  }
0x120: {  	v36 =	vmul.f32 $1.442695020e+00, v36  }
0x121: {  	(erf) = vpow2.f32 v37  }
0x122: {  	(erf) = vpow2.f32 v36;
	_ =	sdelay $0x7  }
0x123: {  	v62 =	vpop (erf)  }
0x124: {  	v63 =	vpop (erf)  }
0x125: {  	v40 =	vadd.f32 v63, v62;
	_ =	sdelay $0x1  }
0x126: {  	(erf) = vrcp.f32 v40;
	_ =	sdelay $0x8  }
0x127: {  	v38 =	vpop (erf)  }
0x128: {  	vm12 =	vge.f32 v34, v35;
	v36 =	vmul.f32 v38, v62  }
0x129: {  	v35 =	vsel vm12, $0x3F800000, v2;
	v41 =	vmul.f32 v38, v63  }
0x12a: {  	v42 =	vsel vm12, $0x0, v3;
	v35 =	vsub.f32 v35, v36  }
0x12b: {  	v37 =	vsub.f32 v42, v41  }
0x12c: {  	v35 =	vadd.f32 v35, v36  }
0x12d: {  	v34 =	vadd.f32 v37, v41  }
0x12e: {  	[tilespmem:$0x2C0] =	vst v35  }
0x12f: {  	[tilespmem:$0x3C0] =	vst v34  }
0x130: {  	v34 =	vld.idx.msk [tilespmem:v28+s2+$0x0], $0xffff  }
0x131: {  	v35 =	vld.idx.msk [tilespmem:v29+s2+$0x0], $0xffff;
	_ =	sdelay $0x4  }
0x132: {  	v43 =	vmax.f32 v34, v35  }
0x133: {  	v44 =	vsub.f32 v34, v43  }
0x134: {  	v36 =	vsub.f32 v35, v43  }
0x135: {  	v37 =	vmul.f32 $1.442695020e+00, v44  }
0x136: {  	v36 =	vmul.f32 $1.442695020e+00, v36  }
0x137: {  	(erf) = vpow2.f32 v37  }
0x138: {  	(erf) = vpow2.f32 v36;
	_ =	sdelay $0x7  }
0x139: {  	v45 =	vpop (erf)  }
0x13a: {  	v46 =	vpop (erf)  }
0x13b: {  	v47 =	vadd.f32 v46, v45;
	_ =	sdelay $0x1  }
0x13c: {  	(erf) = vrcp.f32 v47;
	_ =	sdelay $0x8  }
0x13d: {  	v38 =	vpop (erf)  }
0x13e: {  	vm13 =	vge.f32 v34, v35;
	v36 =	vmul.f32 v38, v45  }
0x13f: {  	v35 =	vsel vm13, $0x3F800000, v2;
	v48 =	vmul.f32 v38, v46  }
0x140: {  	v49 =	vsel vm13, $0x0, v3;
	v35 =	vsub.f32 v35, v36  }
0x141: {  	v37 =	vsub.f32 v49, v48  }
0x142: {  	v35 =	vadd.f32 v35, v36  }
0x143: {  	v34 =	vadd.f32 v37, v48  }
0x144: {  	[tilespmem:$0x2D0] =	vst v35  }
0x145: {  	[tilespmem:$0x3D0] =	vst v34  }
0x146: {  	v34 =	vld.idx.msk [tilespmem:v30+s2+$0x0], $0xffff  }
0x147: {  	v35 =	vld.idx.msk [tilespmem:v31+s2+$0x0], $0xffff;
	_ =	sdelay $0x4  }
0x148: {  	v50 =	vmax.f32 v34, v35  }
0x149: {  	v51 =	vsub.f32 v34, v50  }
0x14a: {  	v36 =	vsub.f32 v35, v50  }
0x14b: {  	v37 =	vmul.f32 $1.442695020e+00, v51  }
0x14c: {  	v36 =	vmul.f32 $1.442695020e+00, v36  }
0x14d: {  	(erf) = vpow2.f32 v37  }
0x14e: {  	(erf) = vpow2.f32 v36;
	_ =	sdelay $0x7  }
0x14f: {  	v52 =	vpop (erf)  }
0x150: {  	v53 =	vpop (erf)  }
0x151: {  	v54 =	vadd.f32 v53, v52;
	_ =	sdelay $0x1  }
0x152: {  	(erf) = vrcp.f32 v54;
	_ =	sdelay $0x8  }
0x153: {  	v38 =	vpop (erf)  }
0x154: {  	vm14 =	vge.f32 v34, v35;
	v36 =	vmul.f32 v38, v52  }
0x155: {  	v35 =	vsel vm14, $0x3F800000, v2;
	v55 =	vmul.f32 v38, v53  }
0x156: {  	v56 =	vsel vm14, $0x0, v3;
	v35 =	vsub.f32 v35, v36  }
0x157: {  	v37 =	vsub.f32 v56, v55  }
0x158: {  	v35 =	vadd.f32 v35, v36  }
0x159: {  	v34 =	vadd.f32 v37, v55  }
0x15a: {  	[tilespmem:$0x2E0] =	vst v35  }
0x15b: {  	[tilespmem:$0x3E0] =	vst v34  }
0x15c: {  	v34 =	vld.idx.msk [tilespmem:v32+s2+$0x0], $0xffff  }
0x15d: {  	v35 =	vld.idx.msk [tilespmem:v33+s2+$0x0], $0xffff;
	_ =	sdelay $0x4  }
0x15e: {  	v57 =	vmax.f32 v34, v35  }
0x15f: {  	v58 =	vsub.f32 v34, v57  }
0x160: {  	v36 =	vsub.f32 v35, v57  }
0x161: {  	v37 =	vmul.f32 $1.442695020e+00, v58  }
0x162: {  	v36 =	vmul.f32 $1.442695020e+00, v36  }
0x163: {  	(erf) = vpow2.f32 v37  }
0x164: {  	(erf) = vpow2.f32 v36;
	_ =	sdelay $0x7  }
0x165: {  	v59 =	vpop (erf)  }
0x166: {  	v60 =	vpop (erf)  }
0x167: {  	v61 =	vadd.f32 v60, v59;
	_ =	sdelay $0x1  }
0x168: {  	(erf) = vrcp.f32 v61;
	_ =	sdelay $0x8  }
0x169: {  	v38 =	vpop (erf)  }
0x16a: {  	vm15 =	vge.f32 v34, v35;
	v36 =	vmul.f32 v38, v59  }
0x16b: {  	v35 =	vsel vm15, $0x3F800000, v2;
	v62 =	vmul.f32 v38, v60  }
0x16c: {  	v63 =	vsel vm15, $0x0, v3;
	v35 =	vsub.f32 v35, v36  }
0x16d: {  	v37 =	vsub.f32 v63, v62  }
0x16e: {  	v35 =	vadd.f32 v35, v36  }
0x16f: {  	v34 =	vadd.f32 v37, v62  }
0x170: {  	[tilespmem:$0x2F0] =	vst v35  }
0x171: {  	[tilespmem:$0x3F0] =	vst v34  }
0x172: {  	[hbm4b:s4+s2] =	stream.linear.scatter [tilespmem:s8], [sflag:$0x1], $0x100, $0x38;
	[tilespmem:$0x400] =	vst v63  }
0x173: {  	_ =	swait.ge [sflag:s7], $0x100  }
0x174: {  	p0 =	sne.s32 s6, $0x1;
	[sflag:s7] =	ssyncset.done $0x0  }
.Ltmp0:
0x175: {  	[sflag:s7] =	ssyncadd.s32 $0xFFFFFF00;
	(pc) =	sbr.rel @p0 .LBB2_1-.Ltmp0, $4  }
0x176: {  	[hbm4b:s5+s2] =	stream.linear.scatter [tilespmem:s9], [sflag:$0x1], $0x100, $0x38;
	[tilespmem:$0x400] =	vst v63  }
0x177: {  	_ =	swait.ge [sflag:s7], $0x100  }
0x178: {  	[sflag:s7] =	ssyncset.done $0x0  }
0x179: {  	s6 =	sadd.s32 $0xFFFFFFFF, s6;
	[sflag:s7] =	ssyncadd.s32 $0xFFFFFF00  }
0x17a: {  	_ =	sfence.sel $0x180000  }
0x17b: {  	[bflag:$0x0] =	sbarrier.arrive $0xFFFF  }
0x17c: {  	p0 =	sne.s32 s0, $0x0;
	_ =	strace $0x90000047  }
0x17d: {  	s0 =	sadd.s32 @!p0 $0x100000, s1;
	[bflag:$0x2] =	sbarrier.arrive $0xFFFF  }
0x17e: {  	[sflag:s0] =	ssyncadd.tile.s32 @!p0 $0x1;
	_ =	shalt  }
.Lfunc_end2:
_tile_overlayer_lowered:
.L_overlay_start_2:
0x17f: {  	(tag) =	ssettag $0x2  }
0x180: {  	s0 =	rddreg [dreg:$0x0];
	s2 =	stileid.u32  }
0x181: {  	s1 =	rddreg [dreg:$0x1];
	p0 =	sne.s32 s2, $0x0  }
0x182: {  	s3 =	rddreg [dreg:$0x2];
	[bflag:$0x3] =	sbarrier.arrive $0xFFFF;
	s2 =	simm.s32 @!p0 $0x1C01  }
0x183: {  	[timem:s3], [sflag:s2] =	dma.local @!p0 [hbm:s0], s1  }
0x184: {  	s0 =	simm.s32 @!p0 $0x1  }
0x185: {  	_ =	swait.ge @!p0 [sflag:s0], s1  }
0x186: {  	s1 =	ssub.s32 @!p0 $0x0, s1;
	[sflag:s0] =	ssyncset.done @!p0 $0x0  }
0x187: {  	[sflag:s0] =	ssyncadd.s32 @!p0 s1  }
0x188: {  	[bflag:$0x3] =	sbarrier.arrive $0xFFFF  }
0x189: {  	_ =	shalt  }

</sc_bundles>
